<compile_context>
chip_gen: v7x
topology: tpu7x:2x2x1
jax: 0.10.2.dev20260603
libtpu: 0.0.44.dev20260713+nightly
codegen_flags: <defaults>
</compile_context>

<pallas_src>
import functools

import jax
import jax.numpy as jnp
from jax import lax
from jax.experimental import pallas as pl
from jax.experimental.pallas import tpu as pltpu
from jax.experimental.pallas import tpu_sc as plsc

PRE_LEN = 128
B_ROWS = 1024
D = 49152
NCH = 64
DC = D // NCH
R = B_ROWS * NCH
NW = 32
BPW = B_ROWS // NW
G = 16
NGRP = BPW // G
NIT = NCH * NGRP
NS = 8
LA = 4


def _gather_kernel(t_hbm, idx_hbm, out_hbm, idx_full, *scr):
    gst = scr[0:NS]
    ost = scr[NS:2 * NS]
    buf = scr[2 * NS:3 * NS]
    sem_g = scr[3 * NS:4 * NS]
    sem_s = scr[4 * NS:5 * NS]

    wid = lax.axis_index("s") * 2 + lax.axis_index("c")
    bs0 = wid * BPW
    pltpu.sync_copy(idx_hbm.at[pl.ds(bs0, BPW)], idx_full)
    lanes = lax.iota(jnp.int32, G)

    def fire_gather(it, b):
        c = lax.shift_right_logical(it, 1)
        grp = lax.bitwise_and(it, 1)
        pv = idx_full[pl.ds(grp * G, G)]
        gst[b][...] = pv * NCH + c
        ost[b][...] = (bs0 + grp * G + lanes) * NCH + c
        pltpu.make_async_copy(t_hbm.at[gst[b]], buf[b], sem_g[b]).start()

    for j in range(LA):
        fire_gather(jnp.int32(j), j)

    def body(k, carry):
        for b in range(NS):
            j = k * NS + b
            pltpu.make_async_copy(t_hbm.at[gst[b]], buf[b], sem_g[b]).wait()
            pltpu.make_async_copy(buf[b], out_hbm.at[ost[b]],
                                  sem_s[b]).start()
            b2 = (b + LA) % NS
            nxt = j + LA

            @pl.when(jnp.logical_and(nxt < NIT, nxt >= NS))
            def _():
                pltpu.make_async_copy(buf[b2], out_hbm.at[ost[b2]],
                                      sem_s[b2]).wait()

            @pl.when(nxt < NIT)
            def _():
                fire_gather(nxt, b2)

        return carry

    lax.fori_loop(0, NIT // NS, body, 0)

    for b in range(NS):
        pltpu.make_async_copy(buf[b], out_hbm.at[ost[b]], sem_s[b]).wait()


@jax.jit
def _run(idx_flat, t2):
    k = functools.partial(
        pl.kernel,
        out_type=jax.ShapeDtypeStruct((R, DC), jnp.float32),
        mesh=plsc.VectorSubcoreMesh(core_axis_name="c", subcore_axis_name="s"),
        scratch_types=(
            [pltpu.VMEM((BPW,), jnp.int32)]
            + [pltpu.VMEM((G,), jnp.int32)] * NS
            + [pltpu.VMEM((G,), jnp.int32)] * NS
            + [pltpu.VMEM((G, DC), jnp.float32)] * NS
            + [pltpu.SemaphoreType.DMA] * (2 * NS)
        ),
    )(_gather_kernel)
    return k(t2, idx_flat)


def kernel(prefix, embedding_weight):
    idx_flat = prefix.reshape(-1).astype(jnp.int32)
    t2 = embedding_weight.reshape(PRE_LEN * NCH, DC)
    out2 = _run(idx_flat, t2)
    return out2.reshape(prefix.shape[0], prefix.shape[1], D)

# --- scband reference (transcript-rebuilt; emitter-appended) ---
"""Pipeline reference for scband-prefix-encoder-19868518711330 (READ-ONLY COPY).

The authoritative reference and input builder live on the scoring server;
editing this copy changes nothing except your own understanding.
"""

import jax, jax.numpy as jnp
import numpy as np

PRE_SEQ_LEN = 128
NUM_LAYERS = 24
KV_CHANNELS = 64
N_HEADS = 16
KV_SIZE = NUM_LAYERS * KV_CHANNELS * N_HEADS * 2  # 49152
BATCH = 8


def setup_inputs(seed: int = 0) -> dict:
    key = jax.random.key(seed)
    k1, k2 = jax.random.split(key)
    prefix = jax.random.randint(k1, (BATCH, PRE_SEQ_LEN), 0, PRE_SEQ_LEN, dtype=jnp.int64) if jax.config.jax_enable_x64 else jax.random.randint(k1, (BATCH, PRE_SEQ_LEN), 0, PRE_SEQ_LEN, dtype=jnp.int32)
    embedding_weight = jax.random.normal(k2, (PRE_SEQ_LEN, KV_SIZE), dtype=jnp.float32) * 0.02
    return {"prefix": prefix, "embedding_weight": embedding_weight}


def reference(prefix, embedding_weight):
    # prefix_projection=False branch: past_key_values = self.embedding(prefix)
    past_key_values = jnp.take(embedding_weight, prefix, axis=0)
    return past_key_values

if __name__ == "__main__":
    import jax
    _d = setup_inputs()
    print(jax.jit(kernel)(*tuple(_d.values())))

</pallas_src>

<mosaic_0001>
#map = affine_map<(d0, d1) -> (0, 0)>
#map1 = affine_map<(d0, d1) -> (0)>
module attributes {stable_mosaic.version = 14 : i64} {
  func.func @_gather_kernel(%arg0: i32, %arg1: i32, %arg2: memref<8192x768xf32, #tpu.memory_space<hbm>>, %arg3: memref<1024xi32, #tpu.memory_space<hbm>>, %arg4: memref<65536x768xf32, #tpu.memory_space<hbm>>, %arg5: memref<32xi32, #tpu.memory_space<vmem>>, %arg6: memref<16xi32, #tpu.memory_space<vmem>>, %arg7: memref<16xi32, #tpu.memory_space<vmem>>, %arg8: memref<16xi32, #tpu.memory_space<vmem>>, %arg9: memref<16xi32, #tpu.memory_space<vmem>>, %arg10: memref<16xi32, #tpu.memory_space<vmem>>, %arg11: memref<16xi32, #tpu.memory_space<vmem>>, %arg12: memref<16xi32, #tpu.memory_space<vmem>>, %arg13: memref<16xi32, #tpu.memory_space<vmem>>, %arg14: memref<16xi32, #tpu.memory_space<vmem>>, %arg15: memref<16xi32, #tpu.memory_space<vmem>>, %arg16: memref<16xi32, #tpu.memory_space<vmem>>, %arg17: memref<16xi32, #tpu.memory_space<vmem>>, %arg18: memref<16xi32, #tpu.memory_space<vmem>>, %arg19: memref<16xi32, #tpu.memory_space<vmem>>, %arg20: memref<16xi32, #tpu.memory_space<vmem>>, %arg21: memref<16xi32, #tpu.memory_space<vmem>>, %arg22: memref<16x768xf32, #tpu.memory_space<vmem>>, %arg23: memref<16x768xf32, #tpu.memory_space<vmem>>, %arg24: memref<16x768xf32, #tpu.memory_space<vmem>>, %arg25: memref<16x768xf32, #tpu.memory_space<vmem>>, %arg26: memref<16x768xf32, #tpu.memory_space<vmem>>, %arg27: memref<16x768xf32, #tpu.memory_space<vmem>>, %arg28: memref<16x768xf32, #tpu.memory_space<vmem>>, %arg29: memref<16x768xf32, #tpu.memory_space<vmem>>, %arg30: memref<!tpu.dma_semaphore, #tpu.memory_space<semaphore_mem>>, %arg31: memref<!tpu.dma_semaphore, #tpu.memory_space<semaphore_mem>>, %arg32: memref<!tpu.dma_semaphore, #tpu.memory_space<semaphore_mem>>, %arg33: memref<!tpu.dma_semaphore, #tpu.memory_space<semaphore_mem>>, %arg34: memref<!tpu.dma_semaphore, #tpu.memory_space<semaphore_mem>>, %arg35: memref<!tpu.dma_semaphore, #tpu.memory_space<semaphore_mem>>, %arg36: memref<!tpu.dma_semaphore, #tpu.memory_space<semaphore_mem>>, %arg37: memref<!tpu.dma_semaphore, #tpu.memory_space<semaphore_mem>>, %arg38: memref<!tpu.dma_semaphore, #tpu.memory_space<semaphore_mem>>, %arg39: memref<!tpu.dma_semaphore, #tpu.memory_space<semaphore_mem>>, %arg40: memref<!tpu.dma_semaphore, #tpu.memory_space<semaphore_mem>>, %arg41: memref<!tpu.dma_semaphore, #tpu.memory_space<semaphore_mem>>, %arg42: memref<!tpu.dma_semaphore, #tpu.memory_space<semaphore_mem>>, %arg43: memref<!tpu.dma_semaphore, #tpu.memory_space<semaphore_mem>>, %arg44: memref<!tpu.dma_semaphore, #tpu.memory_space<semaphore_mem>>, %arg45: memref<!tpu.dma_semaphore, #tpu.memory_space<semaphore_mem>>) attributes {dimension_semantics = [#tpu.dimension_semantics<core_parallel>, #tpu.dimension_semantics<subcore_parallel>], iteration_bounds = array<i64: 2, 16>, scalar_prefetch = 0 : i64, scratch_operands = 41 : i64, tpu.core_type = #tpu.core_type<sc_vector_subcore>, window_params = [{transform_indices = #map}, {transform_indices = #map1}, {transform_indices = #map}]} {
    %mul3A = arith.constant 2 : i32
    %mul3A_0 = arith.muli %arg1, %mul3A : i32
    %add3A = arith.addi %mul3A_0, %arg0 : i32
    %mul3A_1 = arith.constant 32 : i32
    %mul3A_2 = arith.muli %add3A, %mul3A_1 : i32
    "tpu.region"() ({
      %run_scoped3A = tpu.sem_alloc : memref<!tpu.dma_semaphore, #tpu.memory_space<semaphore_mem>>
      %dma_start3A_174 = tpu.memref_slice %arg3[%mul3A_2] : memref<1024xi32, #tpu.memory_space<hbm>> -> memref<32xi32, #tpu.memory_space<hbm>>
      %dma_start3A_175 = tpu.memref_slice %arg3[%mul3A_2] : memref<1024xi32, #tpu.memory_space<hbm>> -> memref<32xi32, #tpu.memory_space<hbm>>
      tpu.enqueue_dma source(%dma_start3A_175 : memref<32xi32, #tpu.memory_space<hbm>>) target(%arg5 : memref<32xi32, #tpu.memory_space<vmem>>) target_semaphore(%run_scoped3A : memref<!tpu.dma_semaphore, #tpu.memory_space<semaphore_mem>>)
      %dma_wait3A_176 = tpu.memref_slice %arg3[%mul3A_2] : memref<1024xi32, #tpu.memory_space<hbm>> -> memref<32xi32, #tpu.memory_space<hbm>>
      %dma_wait3A_177 = tpu.memref_slice %arg3[%mul3A_2] : memref<1024xi32, #tpu.memory_space<hbm>> -> memref<32xi32, #tpu.memory_space<hbm>>
      tpu.wait_dma2 semaphore(%run_scoped3A : memref<!tpu.dma_semaphore, #tpu.memory_space<semaphore_mem>>) src(%dma_wait3A_177 : memref<32xi32, #tpu.memory_space<hbm>>) dst(%arg5 : memref<32xi32, #tpu.memory_space<vmem>>)
      tpu.yield
    }) : () -> ()
    %iota3A = tpu.iota {dimensions = array<i32: 0>} : vector<16xi32>
    %shift_right_logical3A = arith.constant 0 : i32
    %shift_right_logical3A_3 = arith.constant 1 : i32
    %shift_right_logical3A_4 = arith.shrui %shift_right_logical3A, %shift_right_logical3A_3 : i32
    %and3A = arith.constant 0 : i32
    %and3A_5 = arith.constant 1 : i32
    %and3A_6 = arith.andi %and3A, %and3A_5 : i32
    %mul3A_7 = arith.constant 16 : i32
    %mul3A_8 = arith.muli %and3A_6, %mul3A_7 : i32
    %get3A = arith.index_cast %mul3A_8 : i32 to index
    %get3A_9 = tpu.vector_load %arg5[%get3A] {strides = array<i32>} : memref<32xi32, #tpu.memory_space<vmem>>, vector<16xi32>,
    %get3A_10 = vector.shape_cast %get3A_9 : vector<16xi32> to vector<16xi32>
    %mul3A_11 = arith.constant 64 : i32
    %mul3A_12 = vector.broadcast %mul3A_11 : i32 to vector<16xi32>
    %mul3A_13 = arith.muli %get3A_10, %mul3A_12 : vector<16xi32>
    %add3A_14 = vector.broadcast %shift_right_logical3A_4 : i32 to vector<16xi32>
    %add3A_15 = arith.addi %mul3A_13, %add3A_14 : vector<16xi32>
    %swap3A = arith.constant 0 : index
    %swap3A_16 = tpu.vector_load %arg6[%swap3A] {strides = array<i32>} : memref<16xi32, #tpu.memory_space<vmem>>, vector<16xi32>,
    %swap3A_17 = vector.shape_cast %swap3A_16 : vector<16xi32> to vector<16xi32>
    %swap3A_18 = vector.shape_cast %add3A_15 : vector<16xi32> to vector<16xi32>
    tpu.vector_store %arg6[%swap3A], %swap3A_18 {strides = array<i32>} : memref<16xi32, #tpu.memory_space<vmem>>, vector<16xi32>,
    %mul3A_19 = arith.constant 16 : i32
    %mul3A_20 = arith.muli %and3A_6, %mul3A_19 : i32
    %add3A_21 = arith.addi %mul3A_2, %mul3A_20 : i32
    %add3A_22 = vector.broadcast %add3A_21 : i32 to vector<16xi32>
    %add3A_23 = arith.addi %add3A_22, %iota3A : vector<16xi32>
    %mul3A_24 = arith.constant 64 : i32
    %mul3A_25 = vector.broadcast %mul3A_24 : i32 to vector<16xi32>
    %mul3A_26 = arith.muli %add3A_23, %mul3A_25 : vector<16xi32>
    %add3A_27 = vector.broadcast %shift_right_logical3A_4 : i32 to vector<16xi32>
    %add3A_28 = arith.addi %mul3A_26, %add3A_27 : vector<16xi32>
    %swap3A_29 = arith.constant 0 : index
    %swap3A_30 = tpu.vector_load %arg14[%swap3A_29] {strides = array<i32>} : memref<16xi32, #tpu.memory_space<vmem>>, vector<16xi32>,
    %swap3A_31 = vector.shape_cast %swap3A_30 : vector<16xi32> to vector<16xi32>
    %swap3A_32 = vector.shape_cast %add3A_28 : vector<16xi32> to vector<16xi32>
    tpu.vector_store %arg14[%swap3A_29], %swap3A_32 {strides = array<i32>} : memref<16xi32, #tpu.memory_space<vmem>>, vector<16xi32>,
    %dma_start3A = arith.constant 0 : i32
    %dma_start3A_33 = arith.constant 0 : i32
    %dma_start3A_34 = tpu.memref_slice %arg2[%dma_start3A, %dma_start3A_33] : memref<8192x768xf32, #tpu.memory_space<hbm>> -> memref<8192x768xf32, #tpu.memory_space<hbm>>
    tpu.enqueue_indirect_dma source(%dma_start3A_34 : memref<8192x768xf32, #tpu.memory_space<hbm>>) target(%arg22 : memref<16x768xf32, #tpu.memory_space<vmem>>) offsets(%arg6 : memref<16xi32, #tpu.memory_space<vmem>>) semaphore(%arg30 : memref<!tpu.dma_semaphore, #tpu.memory_space<semaphore_mem>>)
    %shift_right_logical3A_35 = arith.constant 1 : i32
    %shift_right_logical3A_36 = arith.constant 1 : i32
    %shift_right_logical3A_37 = arith.shrui %shift_right_logical3A_35, %shift_right_logical3A_36 : i32
    %and3A_38 = arith.constant 1 : i32
    %and3A_39 = arith.constant 1 : i32
    %and3A_40 = arith.andi %and3A_38, %and3A_39 : i32
    %mul3A_41 = arith.constant 16 : i32
    %mul3A_42 = arith.muli %and3A_40, %mul3A_41 : i32
    %get3A_43 = arith.index_cast %mul3A_42 : i32 to index
    %get3A_44 = tpu.vector_load %arg5[%get3A_43] {strides = array<i32>} : memref<32xi32, #tpu.memory_space<vmem>>, vector<16xi32>,
    %get3A_45 = vector.shape_cast %get3A_44 : vector<16xi32> to vector<16xi32>
    %mul3A_46 = arith.constant 64 : i32
    %mul3A_47 = vector.broadcast %mul3A_46 : i32 to vector<16xi32>
    %mul3A_48 = arith.muli %get3A_45, %mul3A_47 : vector<16xi32>
    %add3A_49 = vector.broadcast %shift_right_logical3A_37 : i32 to vector<16xi32>
    %add3A_50 = arith.addi %mul3A_48, %add3A_49 : vector<16xi32>
    %swap3A_51 = arith.constant 0 : index
    %swap3A_52 = tpu.vector_load %arg7[%swap3A_51] {strides = array<i32>} : memref<16xi32, #tpu.memory_space<vmem>>, vector<16xi32>,
    %swap3A_53 = vector.shape_cast %swap3A_52 : vector<16xi32> to vector<16xi32>
    %swap3A_54 = vector.shape_cast %add3A_50 : vector<16xi32> to vector<16xi32>
    tpu.vector_store %arg7[%swap3A_51], %swap3A_54 {strides = array<i32>} : memref<16xi32, #tpu.memory_space<vmem>>, vector<16xi32>,
    %mul3A_55 = arith.constant 16 : i32
    %mul3A_56 = arith.muli %and3A_40, %mul3A_55 : i32
    %add3A_57 = arith.addi %mul3A_2, %mul3A_56 : i32
    %add3A_58 = vector.broadcast %add3A_57 : i32 to vector<16xi32>
    %add3A_59 = arith.addi %add3A_58, %iota3A : vector<16xi32>
    %mul3A_60 = arith.constant 64 : i32
    %mul3A_61 = vector.broadcast %mul3A_60 : i32 to vector<16xi32>
    %mul3A_62 = arith.muli %add3A_59, %mul3A_61 : vector<16xi32>
    %add3A_63 = vector.broadcast %shift_right_logical3A_37 : i32 to vector<16xi32>
    %add3A_64 = arith.addi %mul3A_62, %add3A_63 : vector<16xi32>
    %swap3A_65 = arith.constant 0 : index
    %swap3A_66 = tpu.vector_load %arg15[%swap3A_65] {strides = array<i32>} : memref<16xi32, #tpu.memory_space<vmem>>, vector<16xi32>,
    %swap3A_67 = vector.shape_cast %swap3A_66 : vector<16xi32> to vector<16xi32>
    %swap3A_68 = vector.shape_cast %add3A_64 : vector<16xi32> to vector<16xi32>
    tpu.vector_store %arg15[%swap3A_65], %swap3A_68 {strides = array<i32>} : memref<16xi32, #tpu.memory_space<vmem>>, vector<16xi32>,
    %dma_start3A_69 = arith.constant 0 : i32
    %dma_start3A_70 = arith.constant 0 : i32
    %dma_start3A_71 = tpu.memref_slice %arg2[%dma_start3A_69, %dma_start3A_70] : memref<8192x768xf32, #tpu.memory_space<hbm>> -> memref<8192x768xf32, #tpu.memory_space<hbm>>
    tpu.enqueue_indirect_dma source(%dma_start3A_71 : memref<8192x768xf32, #tpu.memory_space<hbm>>) target(%arg23 : memref<16x768xf32, #tpu.memory_space<vmem>>) offsets(%arg7 : memref<16xi32, #tpu.memory_space<vmem>>) semaphore(%arg31 : memref<!tpu.dma_semaphore, #tpu.memory_space<semaphore_mem>>)
    %shift_right_logical3A_72 = arith.constant 2 : i32
    %shift_right_logical3A_73 = arith.constant 1 : i32
    %shift_right_logical3A_74 = arith.shrui %shift_right_logical3A_72, %shift_right_logical3A_73 : i32
    %and3A_75 = arith.constant 2 : i32
    %and3A_76 = arith.constant 1 : i32
    %and3A_77 = arith.andi %and3A_75, %and3A_76 : i32
    %mul3A_78 = arith.constant 16 : i32
    %mul3A_79 = arith.muli %and3A_77, %mul3A_78 : i32
    %get3A_80 = arith.index_cast %mul3A_79 : i32 to index
    %get3A_81 = tpu.vector_load %arg5[%get3A_80] {strides = array<i32>} : memref<32xi32, #tpu.memory_space<vmem>>, vector<16xi32>,
    %get3A_82 = vector.shape_cast %get3A_81 : vector<16xi32> to vector<16xi32>
    %mul3A_83 = arith.constant 64 : i32
    %mul3A_84 = vector.broadcast %mul3A_83 : i32 to vector<16xi32>
    %mul3A_85 = arith.muli %get3A_82, %mul3A_84 : vector<16xi32>
    %add3A_86 = vector.broadcast %shift_right_logical3A_74 : i32 to vector<16xi32>
    %add3A_87 = arith.addi %mul3A_85, %add3A_86 : vector<16xi32>
    %swap3A_88 = arith.constant 0 : index
    %swap3A_89 = tpu.vector_load %arg8[%swap3A_88] {strides = array<i32>} : memref<16xi32, #tpu.memory_space<vmem>>, vector<16xi32>,
    %swap3A_90 = vector.shape_cast %swap3A_89 : vector<16xi32> to vector<16xi32>
    %swap3A_91 = vector.shape_cast %add3A_87 : vector<16xi32> to vector<16xi32>
    tpu.vector_store %arg8[%swap3A_88], %swap3A_91 {strides = array<i32>} : memref<16xi32, #tpu.memory_space<vmem>>, vector<16xi32>,
    %mul3A_92 = arith.constant 16 : i32
    %mul3A_93 = arith.muli %and3A_77, %mul3A_92 : i32
    %add3A_94 = arith.addi %mul3A_2, %mul3A_93 : i32
    %add3A_95 = vector.broadcast %add3A_94 : i32 to vector<16xi32>
    %add3A_96 = arith.addi %add3A_95, %iota3A : vector<16xi32>
    %mul3A_97 = arith.constant 64 : i32
    %mul3A_98 = vector.broadcast %mul3A_97 : i32 to vector<16xi32>
    %mul3A_99 = arith.muli %add3A_96, %mul3A_98 : vector<16xi32>
    %add3A_100 = vector.broadcast %shift_right_logical3A_74 : i32 to vector<16xi32>
    %add3A_101 = arith.addi %mul3A_99, %add3A_100 : vector<16xi32>
    %swap3A_102 = arith.constant 0 : index
    %swap3A_103 = tpu.vector_load %arg16[%swap3A_102] {strides = array<i32>} : memref<16xi32, #tpu.memory_space<vmem>>, vector<16xi32>,
    %swap3A_104 = vector.shape_cast %swap3A_103 : vector<16xi32> to vector<16xi32>
    %swap3A_105 = vector.shape_cast %add3A_101 : vector<16xi32> to vector<16xi32>
    tpu.vector_store %arg16[%swap3A_102], %swap3A_105 {strides = array<i32>} : memref<16xi32, #tpu.memory_space<vmem>>, vector<16xi32>,
    %dma_start3A_106 = arith.constant 0 : i32
    %dma_start3A_107 = arith.constant 0 : i32
    %dma_start3A_108 = tpu.memref_slice %arg2[%dma_start3A_106, %dma_start3A_107] : memref<8192x768xf32, #tpu.memory_space<hbm>> -> memref<8192x768xf32, #tpu.memory_space<hbm>>
    tpu.enqueue_indirect_dma source(%dma_start3A_108 : memref<8192x768xf32, #tpu.memory_space<hbm>>) target(%arg24 : memref<16x768xf32, #tpu.memory_space<vmem>>) offsets(%arg8 : memref<16xi32, #tpu.memory_space<vmem>>) semaphore(%arg32 : memref<!tpu.dma_semaphore, #tpu.memory_space<semaphore_mem>>)
    %shift_right_logical3A_109 = arith.constant 3 : i32
    %shift_right_logical3A_110 = arith.constant 1 : i32
    %shift_right_logical3A_111 = arith.shrui %shift_right_logical3A_109, %shift_right_logical3A_110 : i32
    %and3A_112 = arith.constant 3 : i32
    %and3A_113 = arith.constant 1 : i32
    %and3A_114 = arith.andi %and3A_112, %and3A_113 : i32
    %mul3A_115 = arith.constant 16 : i32
    %mul3A_116 = arith.muli %and3A_114, %mul3A_115 : i32
    %get3A_117 = arith.index_cast %mul3A_116 : i32 to index
    %get3A_118 = tpu.vector_load %arg5[%get3A_117] {strides = array<i32>} : memref<32xi32, #tpu.memory_space<vmem>>, vector<16xi32>,
    %get3A_119 = vector.shape_cast %get3A_118 : vector<16xi32> to vector<16xi32>
    %mul3A_120 = arith.constant 64 : i32
    %mul3A_121 = vector.broadcast %mul3A_120 : i32 to vector<16xi32>
    %mul3A_122 = arith.muli %get3A_119, %mul3A_121 : vector<16xi32>
    %add3A_123 = vector.broadcast %shift_right_logical3A_111 : i32 to vector<16xi32>
    %add3A_124 = arith.addi %mul3A_122, %add3A_123 : vector<16xi32>
    %swap3A_125 = arith.constant 0 : index
    %swap3A_126 = tpu.vector_load %arg9[%swap3A_125] {strides = array<i32>} : memref<16xi32, #tpu.memory_space<vmem>>, vector<16xi32>,
    %swap3A_127 = vector.shape_cast %swap3A_126 : vector<16xi32> to vector<16xi32>
    %swap3A_128 = vector.shape_cast %add3A_124 : vector<16xi32> to vector<16xi32>
    tpu.vector_store %arg9[%swap3A_125], %swap3A_128 {strides = array<i32>} : memref<16xi32, #tpu.memory_space<vmem>>, vector<16xi32>,
    %mul3A_129 = arith.constant 16 : i32
    %mul3A_130 = arith.muli %and3A_114, %mul3A_129 : i32
    %add3A_131 = arith.addi %mul3A_2, %mul3A_130 : i32
    %add3A_132 = vector.broadcast %add3A_131 : i32 to vector<16xi32>
    %add3A_133 = arith.addi %add3A_132, %iota3A : vector<16xi32>
    %mul3A_134 = arith.constant 64 : i32
    %mul3A_135 = vector.broadcast %mul3A_134 : i32 to vector<16xi32>
    %mul3A_136 = arith.muli %add3A_133, %mul3A_135 : vector<16xi32>
    %add3A_137 = vector.broadcast %shift_right_logical3A_111 : i32 to vector<16xi32>
    %add3A_138 = arith.addi %mul3A_136, %add3A_137 : vector<16xi32>
    %swap3A_139 = arith.constant 0 : index
    %swap3A_140 = tpu.vector_load %arg17[%swap3A_139] {strides = array<i32>} : memref<16xi32, #tpu.memory_space<vmem>>, vector<16xi32>,
    %swap3A_141 = vector.shape_cast %swap3A_140 : vector<16xi32> to vector<16xi32>
    %swap3A_142 = vector.shape_cast %add3A_138 : vector<16xi32> to vector<16xi32>
    tpu.vector_store %arg17[%swap3A_139], %swap3A_142 {strides = array<i32>} : memref<16xi32, #tpu.memory_space<vmem>>, vector<16xi32>,
    %dma_start3A_143 = arith.constant 0 : i32
    %dma_start3A_144 = arith.constant 0 : i32
    %dma_start3A_145 = tpu.memref_slice %arg2[%dma_start3A_143, %dma_start3A_144] : memref<8192x768xf32, #tpu.memory_space<hbm>> -> memref<8192x768xf32, #tpu.memory_space<hbm>>
    tpu.enqueue_indirect_dma source(%dma_start3A_145 : memref<8192x768xf32, #tpu.memory_space<hbm>>) target(%arg25 : memref<16x768xf32, #tpu.memory_space<vmem>>) offsets(%arg9 : memref<16xi32, #tpu.memory_space<vmem>>) semaphore(%arg33 : memref<!tpu.dma_semaphore, #tpu.memory_space<semaphore_mem>>)
    %scan3A = arith.constant 0 : i32
    %scan3A_146 = arith.constant 0 : i32
    %scan3A_147 = arith.constant 16 : i32
    %scan3A_148 = arith.addi %scan3A_146, %scan3A_147 : i32
    %scan3A_149 = arith.constant 1 : i32
    scf.for %scan3A_174 = %scan3A_146 to %scan3A_148 step %scan3A_149  : i32 {
      %mul3A_175 = arith.constant 8 : i32
      %mul3A_176 = arith.muli %scan3A_174, %mul3A_175 : i32
      %add3A_177 = arith.constant 0 : i32
      %add3A_178 = arith.addi %mul3A_176, %add3A_177 : i32
      %dma_wait3A_179 = arith.constant 0 : i32
      %dma_wait3A_180 = arith.constant 0 : i32
      %dma_wait3A_181 = tpu.memref_slice %arg2[%dma_wait3A_179, %dma_wait3A_180] : memref<8192x768xf32, #tpu.memory_space<hbm>> -> memref<8192x768xf32, #tpu.memory_space<hbm>>
      tpu.wait_indirect_dma semaphore(%arg30 : memref<!tpu.dma_semaphore, #tpu.memory_space<semaphore_mem>>) src(%dma_wait3A_181 : memref<8192x768xf32, #tpu.memory_space<hbm>>) dst(%arg22 : memref<16x768xf32, #tpu.memory_space<vmem>>)
      %dma_start3A_182 = arith.constant 0 : i32
      %dma_start3A_183 = arith.constant 0 : i32
      %dma_start3A_184 = tpu.memref_slice %arg4[%dma_start3A_182, %dma_start3A_183] : memref<65536x768xf32, #tpu.memory_space<hbm>> -> memref<65536x768xf32, #tpu.memory_space<hbm>>
      tpu.enqueue_indirect_dma source(%arg22 : memref<16x768xf32, #tpu.memory_space<vmem>>) target(%dma_start3A_184 : memref<65536x768xf32, #tpu.memory_space<hbm>>) offsets(%arg14 : memref<16xi32, #tpu.memory_space<vmem>>) semaphore(%arg38 : memref<!tpu.dma_semaphore, #tpu.memory_space<semaphore_mem>>)
      %add3A_185 = arith.constant 4 : i32
      %add3A_186 = arith.addi %add3A_178, %add3A_185 : i32
      %lt3A = arith.constant 128 : i32
      %lt3A_187 = arith.cmpi slt, %add3A_186, %lt3A : i32
      %ge3A = arith.constant 8 : i32
      %ge3A_188 = arith.cmpi sge, %add3A_186, %ge3A : i32
      %and3A_189 = arith.andi %lt3A_187, %ge3A_188 : i1
      %convert_element_type3A = arith.extui %and3A_189 : i1 to i32
      %cond3A = arith.constant 0 : i32
      %cond3A_190 = arith.cmpi ne, %convert_element_type3A, %cond3A : i32
      scf.if %cond3A_190 {
        %dma_wait3A_371 = arith.constant 0 : i32
        %dma_wait3A_372 = arith.constant 0 : i32
        %dma_wait3A_373 = tpu.memref_slice %arg4[%dma_wait3A_371, %dma_wait3A_372] : memref<65536x768xf32, #tpu.memory_space<hbm>> -> memref<65536x768xf32, #tpu.memory_space<hbm>>
        tpu.wait_indirect_dma semaphore(%arg42 : memref<!tpu.dma_semaphore, #tpu.memory_space<semaphore_mem>>) src(%arg26 : memref<16x768xf32, #tpu.memory_space<vmem>>) dst(%dma_wait3A_373 : memref<65536x768xf32, #tpu.memory_space<hbm>>)
      } else {
      }
      %lt3A_191 = arith.constant 128 : i32
      %lt3A_192 = arith.cmpi slt, %add3A_186, %lt3A_191 : i32
      %convert_element_type3A_193 = arith.extui %lt3A_192 : i1 to i32
      %cond3A_194 = arith.constant 0 : i32
      %cond3A_195 = arith.cmpi ne, %convert_element_type3A_193, %cond3A_194 : i32
      scf.if %cond3A_195 {
        %shift_right_logical3A_371 = arith.constant 1 : i32
        %shift_right_logical3A_372 = arith.shrui %add3A_186, %shift_right_logical3A_371 : i32
        %and3A_373 = arith.constant 1 : i32
        %and3A_374 = arith.andi %add3A_186, %and3A_373 : i32
        %mul3A_375 = arith.constant 16 : i32
        %mul3A_376 = arith.muli %and3A_374, %mul3A_375 : i32
        %get3A_377 = arith.index_cast %mul3A_376 : i32 to index
        %get3A_378 = tpu.vector_load %arg5[%get3A_377] {strides = array<i32>} : memref<32xi32, #tpu.memory_space<vmem>>, vector<16xi32>,
        %get3A_379 = vector.shape_cast %get3A_378 : vector<16xi32> to vector<16xi32>
        %mul3A_380 = arith.constant 64 : i32
        %mul3A_381 = vector.broadcast %mul3A_380 : i32 to vector<16xi32>
        %mul3A_382 = arith.muli %get3A_379, %mul3A_381 : vector<16xi32>
        %add3A_383 = vector.broadcast %shift_right_logical3A_372 : i32 to vector<16xi32>
        %add3A_384 = arith.addi %mul3A_382, %add3A_383 : vector<16xi32>
        %swap3A_385 = arith.constant 0 : index
        %swap3A_386 = tpu.vector_load %arg10[%swap3A_385] {strides = array<i32>} : memref<16xi32, #tpu.memory_space<vmem>>, vector<16xi32>,
        %swap3A_387 = vector.shape_cast %swap3A_386 : vector<16xi32> to vector<16xi32>
        %swap3A_388 = vector.shape_cast %add3A_384 : vector<16xi32> to vector<16xi32>
        tpu.vector_store %arg10[%swap3A_385], %swap3A_388 {strides = array<i32>} : memref<16xi32, #tpu.memory_space<vmem>>, vector<16xi32>,
        %mul3A_389 = arith.constant 16 : i32
        %mul3A_390 = arith.muli %and3A_374, %mul3A_389 : i32
        %add3A_391 = arith.addi %mul3A_2, %mul3A_390 : i32
        %add3A_392 = vector.broadcast %add3A_391 : i32 to vector<16xi32>
        %add3A_393 = arith.addi %add3A_392, %iota3A : vector<16xi32>
        %mul3A_394 = arith.constant 64 : i32
        %mul3A_395 = vector.broadcast %mul3A_394 : i32 to vector<16xi32>
        %mul3A_396 = arith.muli %add3A_393, %mul3A_395 : vector<16xi32>
        %add3A_397 = vector.broadcast %shift_right_logical3A_372 : i32 to vector<16xi32>
        %add3A_398 = arith.addi %mul3A_396, %add3A_397 : vector<16xi32>
        %swap3A_399 = arith.constant 0 : index
        %swap3A_400 = tpu.vector_load %arg18[%swap3A_399] {strides = array<i32>} : memref<16xi32, #tpu.memory_space<vmem>>, vector<16xi32>,
        %swap3A_401 = vector.shape_cast %swap3A_400 : vector<16xi32> to vector<16xi32>
        %swap3A_402 = vector.shape_cast %add3A_398 : vector<16xi32> to vector<16xi32>
        tpu.vector_store %arg18[%swap3A_399], %swap3A_402 {strides = array<i32>} : memref<16xi32, #tpu.memory_space<vmem>>, vector<16xi32>,
        %dma_start3A_403 = arith.constant 0 : i32
        %dma_start3A_404 = arith.constant 0 : i32
        %dma_start3A_405 = tpu.memref_slice %arg2[%dma_start3A_403, %dma_start3A_404] : memref<8192x768xf32, #tpu.memory_space<hbm>> -> memref<8192x768xf32, #tpu.memory_space<hbm>>
        tpu.enqueue_indirect_dma source(%dma_start3A_405 : memref<8192x768xf32, #tpu.memory_space<hbm>>) target(%arg26 : memref<16x768xf32, #tpu.memory_space<vmem>>) offsets(%arg10 : memref<16xi32, #tpu.memory_space<vmem>>) semaphore(%arg34 : memref<!tpu.dma_semaphore, #tpu.memory_space<semaphore_mem>>)
      } else {
      }
      %mul3A_196 = arith.constant 8 : i32
      %mul3A_197 = arith.muli %scan3A_174, %mul3A_196 : i32
      %add3A_198 = arith.constant 1 : i32
      %add3A_199 = arith.addi %mul3A_197, %add3A_198 : i32
      %dma_wait3A_200 = arith.constant 0 : i32
      %dma_wait3A_201 = arith.constant 0 : i32
      %dma_wait3A_202 = tpu.memref_slice %arg2[%dma_wait3A_200, %dma_wait3A_201] : memref<8192x768xf32, #tpu.memory_space<hbm>> -> memref<8192x768xf32, #tpu.memory_space<hbm>>
      tpu.wait_indirect_dma semaphore(%arg31 : memref<!tpu.dma_semaphore, #tpu.memory_space<semaphore_mem>>) src(%dma_wait3A_202 : memref<8192x768xf32, #tpu.memory_space<hbm>>) dst(%arg23 : memref<16x768xf32, #tpu.memory_space<vmem>>)
      %dma_start3A_203 = arith.constant 0 : i32
      %dma_start3A_204 = arith.constant 0 : i32
      %dma_start3A_205 = tpu.memref_slice %arg4[%dma_start3A_203, %dma_start3A_204] : memref<65536x768xf32, #tpu.memory_space<hbm>> -> memref<65536x768xf32, #tpu.memory_space<hbm>>
      tpu.enqueue_indirect_dma source(%arg23 : memref<16x768xf32, #tpu.memory_space<vmem>>) target(%dma_start3A_205 : memref<65536x768xf32, #tpu.memory_space<hbm>>) offsets(%arg15 : memref<16xi32, #tpu.memory_space<vmem>>) semaphore(%arg39 : memref<!tpu.dma_semaphore, #tpu.memory_space<semaphore_mem>>)
      %add3A_206 = arith.constant 4 : i32
      %add3A_207 = arith.addi %add3A_199, %add3A_206 : i32
      %lt3A_208 = arith.constant 128 : i32
      %lt3A_209 = arith.cmpi slt, %add3A_207, %lt3A_208 : i32
      %ge3A_210 = arith.constant 8 : i32
      %ge3A_211 = arith.cmpi sge, %add3A_207, %ge3A_210 : i32
      %and3A_212 = arith.andi %lt3A_209, %ge3A_211 : i1
      %convert_element_type3A_213 = arith.extui %and3A_212 : i1 to i32
      %cond3A_214 = arith.constant 0 : i32
      %cond3A_215 = arith.cmpi ne, %convert_element_type3A_213, %cond3A_214 : i32
      scf.if %cond3A_215 {
        %dma_wait3A_371 = arith.constant 0 : i32
        %dma_wait3A_372 = arith.constant 0 : i32
        %dma_wait3A_373 = tpu.memref_slice %arg4[%dma_wait3A_371, %dma_wait3A_372] : memref<65536x768xf32, #tpu.memory_space<hbm>> -> memref<65536x768xf32, #tpu.memory_space<hbm>>
        tpu.wait_indirect_dma semaphore(%arg43 : memref<!tpu.dma_semaphore, #tpu.memory_space<semaphore_mem>>) src(%arg27 : memref<16x768xf32, #tpu.memory_space<vmem>>) dst(%dma_wait3A_373 : memref<65536x768xf32, #tpu.memory_space<hbm>>)
      } else {
      }
      %lt3A_216 = arith.constant 128 : i32
      %lt3A_217 = arith.cmpi slt, %add3A_207, %lt3A_216 : i32
      %convert_element_type3A_218 = arith.extui %lt3A_217 : i1 to i32
      %cond3A_219 = arith.constant 0 : i32
      %cond3A_220 = arith.cmpi ne, %convert_element_type3A_218, %cond3A_219 : i32
      scf.if %cond3A_220 {
        %shift_right_logical3A_371 = arith.constant 1 : i32
        %shift_right_logical3A_372 = arith.shrui %add3A_207, %shift_right_logical3A_371 : i32
        %and3A_373 = arith.constant 1 : i32
        %and3A_374 = arith.andi %add3A_207, %and3A_373 : i32
        %mul3A_375 = arith.constant 16 : i32
        %mul3A_376 = arith.muli %and3A_374, %mul3A_375 : i32
        %get3A_377 = arith.index_cast %mul3A_376 : i32 to index
        %get3A_378 = tpu.vector_load %arg5[%get3A_377] {strides = array<i32>} : memref<32xi32, #tpu.memory_space<vmem>>, vector<16xi32>,
        %get3A_379 = vector.shape_cast %get3A_378 : vector<16xi32> to vector<16xi32>
        %mul3A_380 = arith.constant 64 : i32
        %mul3A_381 = vector.broadcast %mul3A_380 : i32 to vector<16xi32>
        %mul3A_382 = arith.muli %get3A_379, %mul3A_381 : vector<16xi32>
        %add3A_383 = vector.broadcast %shift_right_logical3A_372 : i32 to vector<16xi32>
        %add3A_384 = arith.addi %mul3A_382, %add3A_383 : vector<16xi32>
        %swap3A_385 = arith.constant 0 : index
        %swap3A_386 = tpu.vector_load %arg11[%swap3A_385] {strides = array<i32>} : memref<16xi32, #tpu.memory_space<vmem>>, vector<16xi32>,
        %swap3A_387 = vector.shape_cast %swap3A_386 : vector<16xi32> to vector<16xi32>
        %swap3A_388 = vector.shape_cast %add3A_384 : vector<16xi32> to vector<16xi32>
        tpu.vector_store %arg11[%swap3A_385], %swap3A_388 {strides = array<i32>} : memref<16xi32, #tpu.memory_space<vmem>>, vector<16xi32>,
        %mul3A_389 = arith.constant 16 : i32
        %mul3A_390 = arith.muli %and3A_374, %mul3A_389 : i32
        %add3A_391 = arith.addi %mul3A_2, %mul3A_390 : i32
        %add3A_392 = vector.broadcast %add3A_391 : i32 to vector<16xi32>
        %add3A_393 = arith.addi %add3A_392, %iota3A : vector<16xi32>
        %mul3A_394 = arith.constant 64 : i32
        %mul3A_395 = vector.broadcast %mul3A_394 : i32 to vector<16xi32>
        %mul3A_396 = arith.muli %add3A_393, %mul3A_395 : vector<16xi32>
        %add3A_397 = vector.broadcast %shift_right_logical3A_372 : i32 to vector<16xi32>
        %add3A_398 = arith.addi %mul3A_396, %add3A_397 : vector<16xi32>
        %swap3A_399 = arith.constant 0 : index
        %swap3A_400 = tpu.vector_load %arg19[%swap3A_399] {strides = array<i32>} : memref<16xi32, #tpu.memory_space<vmem>>, vector<16xi32>,
        %swap3A_401 = vector.shape_cast %swap3A_400 : vector<16xi32> to vector<16xi32>
        %swap3A_402 = vector.shape_cast %add3A_398 : vector<16xi32> to vector<16xi32>
        tpu.vector_store %arg19[%swap3A_399], %swap3A_402 {strides = array<i32>} : memref<16xi32, #tpu.memory_space<vmem>>, vector<16xi32>,
        %dma_start3A_403 = arith.constant 0 : i32
        %dma_start3A_404 = arith.constant 0 : i32
        %dma_start3A_405 = tpu.memref_slice %arg2[%dma_start3A_403, %dma_start3A_404] : memref<8192x768xf32, #tpu.memory_space<hbm>> -> memref<8192x768xf32, #tpu.memory_space<hbm>>
        tpu.enqueue_indirect_dma source(%dma_start3A_405 : memref<8192x768xf32, #tpu.memory_space<hbm>>) target(%arg27 : memref<16x768xf32, #tpu.memory_space<vmem>>) offsets(%arg11 : memref<16xi32, #tpu.memory_space<vmem>>) semaphore(%arg35 : memref<!tpu.dma_semaphore, #tpu.memory_space<semaphore_mem>>)
      } else {
      }
      %mul3A_221 = arith.constant 8 : i32
      %mul3A_222 = arith.muli %scan3A_174, %mul3A_221 : i32
      %add3A_223 = arith.constant 2 : i32
      %add3A_224 = arith.addi %mul3A_222, %add3A_223 : i32
      %dma_wait3A_225 = arith.constant 0 : i32
      %dma_wait3A_226 = arith.constant 0 : i32
      %dma_wait3A_227 = tpu.memref_slice %arg2[%dma_wait3A_225, %dma_wait3A_226] : memref<8192x768xf32, #tpu.memory_space<hbm>> -> memref<8192x768xf32, #tpu.memory_space<hbm>>
      tpu.wait_indirect_dma semaphore(%arg32 : memref<!tpu.dma_semaphore, #tpu.memory_space<semaphore_mem>>) src(%dma_wait3A_227 : memref<8192x768xf32, #tpu.memory_space<hbm>>) dst(%arg24 : memref<16x768xf32, #tpu.memory_space<vmem>>)
      %dma_start3A_228 = arith.constant 0 : i32
      %dma_start3A_229 = arith.constant 0 : i32
      %dma_start3A_230 = tpu.memref_slice %arg4[%dma_start3A_228, %dma_start3A_229] : memref<65536x768xf32, #tpu.memory_space<hbm>> -> memref<65536x768xf32, #tpu.memory_space<hbm>>
      tpu.enqueue_indirect_dma source(%arg24 : memref<16x768xf32, #tpu.memory_space<vmem>>) target(%dma_start3A_230 : memref<65536x768xf32, #tpu.memory_space<hbm>>) offsets(%arg16 : memref<16xi32, #tpu.memory_space<vmem>>) semaphore(%arg40 : memref<!tpu.dma_semaphore, #tpu.memory_space<semaphore_mem>>)
      %add3A_231 = arith.constant 4 : i32
      %add3A_232 = arith.addi %add3A_224, %add3A_231 : i32
      %lt3A_233 = arith.constant 128 : i32
      %lt3A_234 = arith.cmpi slt, %add3A_232, %lt3A_233 : i32
      %ge3A_235 = arith.constant 8 : i32
      %ge3A_236 = arith.cmpi sge, %add3A_232, %ge3A_235 : i32
      %and3A_237 = arith.andi %lt3A_234, %ge3A_236 : i1
      %convert_element_type3A_238 = arith.extui %and3A_237 : i1 to i32
      %cond3A_239 = arith.constant 0 : i32
      %cond3A_240 = arith.cmpi ne, %convert_element_type3A_238, %cond3A_239 : i32
      scf.if %cond3A_240 {
        %dma_wait3A_371 = arith.constant 0 : i32
        %dma_wait3A_372 = arith.constant 0 : i32
        %dma_wait3A_373 = tpu.memref_slice %arg4[%dma_wait3A_371, %dma_wait3A_372] : memref<65536x768xf32, #tpu.memory_space<hbm>> -> memref<65536x768xf32, #tpu.memory_space<hbm>>
        tpu.wait_indirect_dma semaphore(%arg44 : memref<!tpu.dma_semaphore, #tpu.memory_space<semaphore_mem>>) src(%arg28 : memref<16x768xf32, #tpu.memory_space<vmem>>) dst(%dma_wait3A_373 : memref<65536x768xf32, #tpu.memory_space<hbm>>)
      } else {
      }
      %lt3A_241 = arith.constant 128 : i32
      %lt3A_242 = arith.cmpi slt, %add3A_232, %lt3A_241 : i32
      %convert_element_type3A_243 = arith.extui %lt3A_242 : i1 to i32
      %cond3A_244 = arith.constant 0 : i32
      %cond3A_245 = arith.cmpi ne, %convert_element_type3A_243, %cond3A_244 : i32
      scf.if %cond3A_245 {
        %shift_right_logical3A_371 = arith.constant 1 : i32
        %shift_right_logical3A_372 = arith.shrui %add3A_232, %shift_right_logical3A_371 : i32
        %and3A_373 = arith.constant 1 : i32
        %and3A_374 = arith.andi %add3A_232, %and3A_373 : i32
        %mul3A_375 = arith.constant 16 : i32
        %mul3A_376 = arith.muli %and3A_374, %mul3A_375 : i32
        %get3A_377 = arith.index_cast %mul3A_376 : i32 to index
        %get3A_378 = tpu.vector_load %arg5[%get3A_377] {strides = array<i32>} : memref<32xi32, #tpu.memory_space<vmem>>, vector<16xi32>,
        %get3A_379 = vector.shape_cast %get3A_378 : vector<16xi32> to vector<16xi32>
        %mul3A_380 = arith.constant 64 : i32
        %mul3A_381 = vector.broadcast %mul3A_380 : i32 to vector<16xi32>
        %mul3A_382 = arith.muli %get3A_379, %mul3A_381 : vector<16xi32>
        %add3A_383 = vector.broadcast %shift_right_logical3A_372 : i32 to vector<16xi32>
        %add3A_384 = arith.addi %mul3A_382, %add3A_383 : vector<16xi32>
        %swap3A_385 = arith.constant 0 : index
        %swap3A_386 = tpu.vector_load %arg12[%swap3A_385] {strides = array<i32>} : memref<16xi32, #tpu.memory_space<vmem>>, vector<16xi32>,
        %swap3A_387 = vector.shape_cast %swap3A_386 : vector<16xi32> to vector<16xi32>
        %swap3A_388 = vector.shape_cast %add3A_384 : vector<16xi32> to vector<16xi32>
        tpu.vector_store %arg12[%swap3A_385], %swap3A_388 {strides = array<i32>} : memref<16xi32, #tpu.memory_space<vmem>>, vector<16xi32>,
        %mul3A_389 = arith.constant 16 : i32
        %mul3A_390 = arith.muli %and3A_374, %mul3A_389 : i32
        %add3A_391 = arith.addi %mul3A_2, %mul3A_390 : i32
        %add3A_392 = vector.broadcast %add3A_391 : i32 to vector<16xi32>
        %add3A_393 = arith.addi %add3A_392, %iota3A : vector<16xi32>
        %mul3A_394 = arith.constant 64 : i32
        %mul3A_395 = vector.broadcast %mul3A_394 : i32 to vector<16xi32>
        %mul3A_396 = arith.muli %add3A_393, %mul3A_395 : vector<16xi32>
        %add3A_397 = vector.broadcast %shift_right_logical3A_372 : i32 to vector<16xi32>
        %add3A_398 = arith.addi %mul3A_396, %add3A_397 : vector<16xi32>
        %swap3A_399 = arith.constant 0 : index
        %swap3A_400 = tpu.vector_load %arg20[%swap3A_399] {strides = array<i32>} : memref<16xi32, #tpu.memory_space<vmem>>, vector<16xi32>,
        %swap3A_401 = vector.shape_cast %swap3A_400 : vector<16xi32> to vector<16xi32>
        %swap3A_402 = vector.shape_cast %add3A_398 : vector<16xi32> to vector<16xi32>
        tpu.vector_store %arg20[%swap3A_399], %swap3A_402 {strides = array<i32>} : memref<16xi32, #tpu.memory_space<vmem>>, vector<16xi32>,
        %dma_start3A_403 = arith.constant 0 : i32
        %dma_start3A_404 = arith.constant 0 : i32
        %dma_start3A_405 = tpu.memref_slice %arg2[%dma_start3A_403, %dma_start3A_404] : memref<8192x768xf32, #tpu.memory_space<hbm>> -> memref<8192x768xf32, #tpu.memory_space<hbm>>
        tpu.enqueue_indirect_dma source(%dma_start3A_405 : memref<8192x768xf32, #tpu.memory_space<hbm>>) target(%arg28 : memref<16x768xf32, #tpu.memory_space<vmem>>) offsets(%arg12 : memref<16xi32, #tpu.memory_space<vmem>>) semaphore(%arg36 : memref<!tpu.dma_semaphore, #tpu.memory_space<semaphore_mem>>)
      } else {
      }
      %mul3A_246 = arith.constant 8 : i32
      %mul3A_247 = arith.muli %scan3A_174, %mul3A_246 : i32
      %add3A_248 = arith.constant 3 : i32
      %add3A_249 = arith.addi %mul3A_247, %add3A_248 : i32
      %dma_wait3A_250 = arith.constant 0 : i32
      %dma_wait3A_251 = arith.constant 0 : i32
      %dma_wait3A_252 = tpu.memref_slice %arg2[%dma_wait3A_250, %dma_wait3A_251] : memref<8192x768xf32, #tpu.memory_space<hbm>> -> memref<8192x768xf32, #tpu.memory_space<hbm>>
      tpu.wait_indirect_dma semaphore(%arg33 : memref<!tpu.dma_semaphore, #tpu.memory_space<semaphore_mem>>) src(%dma_wait3A_252 : memref<8192x768xf32, #tpu.memory_space<hbm>>) dst(%arg25 : memref<16x768xf32, #tpu.memory_space<vmem>>)
      %dma_start3A_253 = arith.constant 0 : i32
      %dma_start3A_254 = arith.constant 0 : i32
      %dma_start3A_255 = tpu.memref_slice %arg4[%dma_start3A_253, %dma_start3A_254] : memref<65536x768xf32, #tpu.memory_space<hbm>> -> memref<65536x768xf32, #tpu.memory_space<hbm>>
      tpu.enqueue_indirect_dma source(%arg25 : memref<16x768xf32, #tpu.memory_space<vmem>>) target(%dma_start3A_255 : memref<65536x768xf32, #tpu.memory_space<hbm>>) offsets(%arg17 : memref<16xi32, #tpu.memory_space<vmem>>) semaphore(%arg41 : memref<!tpu.dma_semaphore, #tpu.memory_space<semaphore_mem>>)
      %add3A_256 = arith.constant 4 : i32
      %add3A_257 = arith.addi %add3A_249, %add3A_256 : i32
      %lt3A_258 = arith.constant 128 : i32
      %lt3A_259 = arith.cmpi slt, %add3A_257, %lt3A_258 : i32
      %ge3A_260 = arith.constant 8 : i32
      %ge3A_261 = arith.cmpi sge, %add3A_257, %ge3A_260 : i32
      %and3A_262 = arith.andi %lt3A_259, %ge3A_261 : i1
      %convert_element_type3A_263 = arith.extui %and3A_262 : i1 to i32
      %cond3A_264 = arith.constant 0 : i32
      %cond3A_265 = arith.cmpi ne, %convert_element_type3A_263, %cond3A_264 : i32
      scf.if %cond3A_265 {
        %dma_wait3A_371 = arith.constant 0 : i32
        %dma_wait3A_372 = arith.constant 0 : i32
        %dma_wait3A_373 = tpu.memref_slice %arg4[%dma_wait3A_371, %dma_wait3A_372] : memref<65536x768xf32, #tpu.memory_space<hbm>> -> memref<65536x768xf32, #tpu.memory_space<hbm>>
        tpu.wait_indirect_dma semaphore(%arg45 : memref<!tpu.dma_semaphore, #tpu.memory_space<semaphore_mem>>) src(%arg29 : memref<16x768xf32, #tpu.memory_space<vmem>>) dst(%dma_wait3A_373 : memref<65536x768xf32, #tpu.memory_space<hbm>>)
      } else {
      }
      %lt3A_266 = arith.constant 128 : i32
      %lt3A_267 = arith.cmpi slt, %add3A_257, %lt3A_266 : i32
      %convert_element_type3A_268 = arith.extui %lt3A_267 : i1 to i32
      %cond3A_269 = arith.constant 0 : i32
      %cond3A_270 = arith.cmpi ne, %convert_element_type3A_268, %cond3A_269 : i32
      scf.if %cond3A_270 {
        %shift_right_logical3A_371 = arith.constant 1 : i32
        %shift_right_logical3A_372 = arith.shrui %add3A_257, %shift_right_logical3A_371 : i32
        %and3A_373 = arith.constant 1 : i32
        %and3A_374 = arith.andi %add3A_257, %and3A_373 : i32
        %mul3A_375 = arith.constant 16 : i32
        %mul3A_376 = arith.muli %and3A_374, %mul3A_375 : i32
        %get3A_377 = arith.index_cast %mul3A_376 : i32 to index
        %get3A_378 = tpu.vector_load %arg5[%get3A_377] {strides = array<i32>} : memref<32xi32, #tpu.memory_space<vmem>>, vector<16xi32>,
        %get3A_379 = vector.shape_cast %get3A_378 : vector<16xi32> to vector<16xi32>
        %mul3A_380 = arith.constant 64 : i32
        %mul3A_381 = vector.broadcast %mul3A_380 : i32 to vector<16xi32>
        %mul3A_382 = arith.muli %get3A_379, %mul3A_381 : vector<16xi32>
        %add3A_383 = vector.broadcast %shift_right_logical3A_372 : i32 to vector<16xi32>
        %add3A_384 = arith.addi %mul3A_382, %add3A_383 : vector<16xi32>
        %swap3A_385 = arith.constant 0 : index
        %swap3A_386 = tpu.vector_load %arg13[%swap3A_385] {strides = array<i32>} : memref<16xi32, #tpu.memory_space<vmem>>, vector<16xi32>,
        %swap3A_387 = vector.shape_cast %swap3A_386 : vector<16xi32> to vector<16xi32>
        %swap3A_388 = vector.shape_cast %add3A_384 : vector<16xi32> to vector<16xi32>
        tpu.vector_store %arg13[%swap3A_385], %swap3A_388 {strides = array<i32>} : memref<16xi32, #tpu.memory_space<vmem>>, vector<16xi32>,
        %mul3A_389 = arith.constant 16 : i32
        %mul3A_390 = arith.muli %and3A_374, %mul3A_389 : i32
        %add3A_391 = arith.addi %mul3A_2, %mul3A_390 : i32
        %add3A_392 = vector.broadcast %add3A_391 : i32 to vector<16xi32>
        %add3A_393 = arith.addi %add3A_392, %iota3A : vector<16xi32>
        %mul3A_394 = arith.constant 64 : i32
        %mul3A_395 = vector.broadcast %mul3A_394 : i32 to vector<16xi32>
        %mul3A_396 = arith.muli %add3A_393, %mul3A_395 : vector<16xi32>
        %add3A_397 = vector.broadcast %shift_right_logical3A_372 : i32 to vector<16xi32>
        %add3A_398 = arith.addi %mul3A_396, %add3A_397 : vector<16xi32>
        %swap3A_399 = arith.constant 0 : index
        %swap3A_400 = tpu.vector_load %arg21[%swap3A_399] {strides = array<i32>} : memref<16xi32, #tpu.memory_space<vmem>>, vector<16xi32>,
        %swap3A_401 = vector.shape_cast %swap3A_400 : vector<16xi32> to vector<16xi32>
        %swap3A_402 = vector.shape_cast %add3A_398 : vector<16xi32> to vector<16xi32>
        tpu.vector_store %arg21[%swap3A_399], %swap3A_402 {strides = array<i32>} : memref<16xi32, #tpu.memory_space<vmem>>, vector<16xi32>,
        %dma_start3A_403 = arith.constant 0 : i32
        %dma_start3A_404 = arith.constant 0 : i32
        %dma_start3A_405 = tpu.memref_slice %arg2[%dma_start3A_403, %dma_start3A_404] : memref<8192x768xf32, #tpu.memory_space<hbm>> -> memref<8192x768xf32, #tpu.memory_space<hbm>>
        tpu.enqueue_indirect_dma source(%dma_start3A_405 : memref<8192x768xf32, #tpu.memory_space<hbm>>) target(%arg29 : memref<16x768xf32, #tpu.memory_space<vmem>>) offsets(%arg13 : memref<16xi32, #tpu.memory_space<vmem>>) semaphore(%arg37 : memref<!tpu.dma_semaphore, #tpu.memory_space<semaphore_mem>>)
      } else {
      }
      %mul3A_271 = arith.constant 8 : i32
      %mul3A_272 = arith.muli %scan3A_174, %mul3A_271 : i32
      %add3A_273 = arith.constant 4 : i32
      %add3A_274 = arith.addi %mul3A_272, %add3A_273 : i32
      %dma_wait3A_275 = arith.constant 0 : i32
      %dma_wait3A_276 = arith.constant 0 : i32
      %dma_wait3A_277 = tpu.memref_slice %arg2[%dma_wait3A_275, %dma_wait3A_276] : memref<8192x768xf32, #tpu.memory_space<hbm>> -> memref<8192x768xf32, #tpu.memory_space<hbm>>
      tpu.wait_indirect_dma semaphore(%arg34 : memref<!tpu.dma_semaphore, #tpu.memory_space<semaphore_mem>>) src(%dma_wait3A_277 : memref<8192x768xf32, #tpu.memory_space<hbm>>) dst(%arg26 : memref<16x768xf32, #tpu.memory_space<vmem>>)
      %dma_start3A_278 = arith.constant 0 : i32
      %dma_start3A_279 = arith.constant 0 : i32
      %dma_start3A_280 = tpu.memref_slice %arg4[%dma_start3A_278, %dma_start3A_279] : memref<65536x768xf32, #tpu.memory_space<hbm>> -> memref<65536x768xf32, #tpu.memory_space<hbm>>
      tpu.enqueue_indirect_dma source(%arg26 : memref<16x768xf32, #tpu.memory_space<vmem>>) target(%dma_start3A_280 : memref<65536x768xf32, #tpu.memory_space<hbm>>) offsets(%arg18 : memref<16xi32, #tpu.memory_space<vmem>>) semaphore(%arg42 : memref<!tpu.dma_semaphore, #tpu.memory_space<semaphore_mem>>)
      %add3A_281 = arith.constant 4 : i32
      %add3A_282 = arith.addi %add3A_274, %add3A_281 : i32
      %lt3A_283 = arith.constant 128 : i32
      %lt3A_284 = arith.cmpi slt, %add3A_282, %lt3A_283 : i32
      %ge3A_285 = arith.constant 8 : i32
      %ge3A_286 = arith.cmpi sge, %add3A_282, %ge3A_285 : i32
      %and3A_287 = arith.andi %lt3A_284, %ge3A_286 : i1
      %convert_element_type3A_288 = arith.extui %and3A_287 : i1 to i32
      %cond3A_289 = arith.constant 0 : i32
      %cond3A_290 = arith.cmpi ne, %convert_element_type3A_288, %cond3A_289 : i32
      scf.if %cond3A_290 {
        %dma_wait3A_371 = arith.constant 0 : i32
        %dma_wait3A_372 = arith.constant 0 : i32
        %dma_wait3A_373 = tpu.memref_slice %arg4[%dma_wait3A_371, %dma_wait3A_372] : memref<65536x768xf32, #tpu.memory_space<hbm>> -> memref<65536x768xf32, #tpu.memory_space<hbm>>
        tpu.wait_indirect_dma semaphore(%arg38 : memref<!tpu.dma_semaphore, #tpu.memory_space<semaphore_mem>>) src(%arg22 : memref<16x768xf32, #tpu.memory_space<vmem>>) dst(%dma_wait3A_373 : memref<65536x768xf32, #tpu.memory_space<hbm>>)
      } else {
      }
      %lt3A_291 = arith.constant 128 : i32
      %lt3A_292 = arith.cmpi slt, %add3A_282, %lt3A_291 : i32
      %convert_element_type3A_293 = arith.extui %lt3A_292 : i1 to i32
      %cond3A_294 = arith.constant 0 : i32
      %cond3A_295 = arith.cmpi ne, %convert_element_type3A_293, %cond3A_294 : i32
      scf.if %cond3A_295 {
        %shift_right_logical3A_371 = arith.constant 1 : i32
        %shift_right_logical3A_372 = arith.shrui %add3A_282, %shift_right_logical3A_371 : i32
        %and3A_373 = arith.constant 1 : i32
        %and3A_374 = arith.andi %add3A_282, %and3A_373 : i32
        %mul3A_375 = arith.constant 16 : i32
        %mul3A_376 = arith.muli %and3A_374, %mul3A_375 : i32
        %get3A_377 = arith.index_cast %mul3A_376 : i32 to index
        %get3A_378 = tpu.vector_load %arg5[%get3A_377] {strides = array<i32>} : memref<32xi32, #tpu.memory_space<vmem>>, vector<16xi32>,
        %get3A_379 = vector.shape_cast %get3A_378 : vector<16xi32> to vector<16xi32>
        %mul3A_380 = arith.constant 64 : i32
        %mul3A_381 = vector.broadcast %mul3A_380 : i32 to vector<16xi32>
        %mul3A_382 = arith.muli %get3A_379, %mul3A_381 : vector<16xi32>
        %add3A_383 = vector.broadcast %shift_right_logical3A_372 : i32 to vector<16xi32>
        %add3A_384 = arith.addi %mul3A_382, %add3A_383 : vector<16xi32>
        %swap3A_385 = arith.constant 0 : index
        %swap3A_386 = tpu.vector_load %arg6[%swap3A_385] {strides = array<i32>} : memref<16xi32, #tpu.memory_space<vmem>>, vector<16xi32>,
        %swap3A_387 = vector.shape_cast %swap3A_386 : vector<16xi32> to vector<16xi32>
        %swap3A_388 = vector.shape_cast %add3A_384 : vector<16xi32> to vector<16xi32>
        tpu.vector_store %arg6[%swap3A_385], %swap3A_388 {strides = array<i32>} : memref<16xi32, #tpu.memory_space<vmem>>, vector<16xi32>,
        %mul3A_389 = arith.constant 16 : i32
        %mul3A_390 = arith.muli %and3A_374, %mul3A_389 : i32
        %add3A_391 = arith.addi %mul3A_2, %mul3A_390 : i32
        %add3A_392 = vector.broadcast %add3A_391 : i32 to vector<16xi32>
        %add3A_393 = arith.addi %add3A_392, %iota3A : vector<16xi32>
        %mul3A_394 = arith.constant 64 : i32
        %mul3A_395 = vector.broadcast %mul3A_394 : i32 to vector<16xi32>
        %mul3A_396 = arith.muli %add3A_393, %mul3A_395 : vector<16xi32>
        %add3A_397 = vector.broadcast %shift_right_logical3A_372 : i32 to vector<16xi32>
        %add3A_398 = arith.addi %mul3A_396, %add3A_397 : vector<16xi32>
        %swap3A_399 = arith.constant 0 : index
        %swap3A_400 = tpu.vector_load %arg14[%swap3A_399] {strides = array<i32>} : memref<16xi32, #tpu.memory_space<vmem>>, vector<16xi32>,
        %swap3A_401 = vector.shape_cast %swap3A_400 : vector<16xi32> to vector<16xi32>
        %swap3A_402 = vector.shape_cast %add3A_398 : vector<16xi32> to vector<16xi32>
        tpu.vector_store %arg14[%swap3A_399], %swap3A_402 {strides = array<i32>} : memref<16xi32, #tpu.memory_space<vmem>>, vector<16xi32>,
        %dma_start3A_403 = arith.constant 0 : i32
        %dma_start3A_404 = arith.constant 0 : i32
        %dma_start3A_405 = tpu.memref_slice %arg2[%dma_start3A_403, %dma_start3A_404] : memref<8192x768xf32, #tpu.memory_space<hbm>> -> memref<8192x768xf32, #tpu.memory_space<hbm>>
        tpu.enqueue_indirect_dma source(%dma_start3A_405 : memref<8192x768xf32, #tpu.memory_space<hbm>>) target(%arg22 : memref<16x768xf32, #tpu.memory_space<vmem>>) offsets(%arg6 : memref<16xi32, #tpu.memory_space<vmem>>) semaphore(%arg30 : memref<!tpu.dma_semaphore, #tpu.memory_space<semaphore_mem>>)
      } else {
      }
      %mul3A_296 = arith.constant 8 : i32
      %mul3A_297 = arith.muli %scan3A_174, %mul3A_296 : i32
      %add3A_298 = arith.constant 5 : i32
      %add3A_299 = arith.addi %mul3A_297, %add3A_298 : i32
      %dma_wait3A_300 = arith.constant 0 : i32
      %dma_wait3A_301 = arith.constant 0 : i32
      %dma_wait3A_302 = tpu.memref_slice %arg2[%dma_wait3A_300, %dma_wait3A_301] : memref<8192x768xf32, #tpu.memory_space<hbm>> -> memref<8192x768xf32, #tpu.memory_space<hbm>>
      tpu.wait_indirect_dma semaphore(%arg35 : memref<!tpu.dma_semaphore, #tpu.memory_space<semaphore_mem>>) src(%dma_wait3A_302 : memref<8192x768xf32, #tpu.memory_space<hbm>>) dst(%arg27 : memref<16x768xf32, #tpu.memory_space<vmem>>)
      %dma_start3A_303 = arith.constant 0 : i32
      %dma_start3A_304 = arith.constant 0 : i32
      %dma_start3A_305 = tpu.memref_slice %arg4[%dma_start3A_303, %dma_start3A_304] : memref<65536x768xf32, #tpu.memory_space<hbm>> -> memref<65536x768xf32, #tpu.memory_space<hbm>>
      tpu.enqueue_indirect_dma source(%arg27 : memref<16x768xf32, #tpu.memory_space<vmem>>) target(%dma_start3A_305 : memref<65536x768xf32, #tpu.memory_space<hbm>>) offsets(%arg19 : memref<16xi32, #tpu.memory_space<vmem>>) semaphore(%arg43 : memref<!tpu.dma_semaphore, #tpu.memory_space<semaphore_mem>>)
      %add3A_306 = arith.constant 4 : i32
      %add3A_307 = arith.addi %add3A_299, %add3A_306 : i32
      %lt3A_308 = arith.constant 128 : i32
      %lt3A_309 = arith.cmpi slt, %add3A_307, %lt3A_308 : i32
      %ge3A_310 = arith.constant 8 : i32
      %ge3A_311 = arith.cmpi sge, %add3A_307, %ge3A_310 : i32
      %and3A_312 = arith.andi %lt3A_309, %ge3A_311 : i1
      %convert_element_type3A_313 = arith.extui %and3A_312 : i1 to i32
      %cond3A_314 = arith.constant 0 : i32
      %cond3A_315 = arith.cmpi ne, %convert_element_type3A_313, %cond3A_314 : i32
      scf.if %cond3A_315 {
        %dma_wait3A_371 = arith.constant 0 : i32
        %dma_wait3A_372 = arith.constant 0 : i32
        %dma_wait3A_373 = tpu.memref_slice %arg4[%dma_wait3A_371, %dma_wait3A_372] : memref<65536x768xf32, #tpu.memory_space<hbm>> -> memref<65536x768xf32, #tpu.memory_space<hbm>>
        tpu.wait_indirect_dma semaphore(%arg39 : memref<!tpu.dma_semaphore, #tpu.memory_space<semaphore_mem>>) src(%arg23 : memref<16x768xf32, #tpu.memory_space<vmem>>) dst(%dma_wait3A_373 : memref<65536x768xf32, #tpu.memory_space<hbm>>)
      } else {
      }
      %lt3A_316 = arith.constant 128 : i32
      %lt3A_317 = arith.cmpi slt, %add3A_307, %lt3A_316 : i32
      %convert_element_type3A_318 = arith.extui %lt3A_317 : i1 to i32
      %cond3A_319 = arith.constant 0 : i32
      %cond3A_320 = arith.cmpi ne, %convert_element_type3A_318, %cond3A_319 : i32
      scf.if %cond3A_320 {
        %shift_right_logical3A_371 = arith.constant 1 : i32
        %shift_right_logical3A_372 = arith.shrui %add3A_307, %shift_right_logical3A_371 : i32
        %and3A_373 = arith.constant 1 : i32
        %and3A_374 = arith.andi %add3A_307, %and3A_373 : i32
        %mul3A_375 = arith.constant 16 : i32
        %mul3A_376 = arith.muli %and3A_374, %mul3A_375 : i32
        %get3A_377 = arith.index_cast %mul3A_376 : i32 to index
        %get3A_378 = tpu.vector_load %arg5[%get3A_377] {strides = array<i32>} : memref<32xi32, #tpu.memory_space<vmem>>, vector<16xi32>,
        %get3A_379 = vector.shape_cast %get3A_378 : vector<16xi32> to vector<16xi32>
        %mul3A_380 = arith.constant 64 : i32
        %mul3A_381 = vector.broadcast %mul3A_380 : i32 to vector<16xi32>
        %mul3A_382 = arith.muli %get3A_379, %mul3A_381 : vector<16xi32>
        %add3A_383 = vector.broadcast %shift_right_logical3A_372 : i32 to vector<16xi32>
        %add3A_384 = arith.addi %mul3A_382, %add3A_383 : vector<16xi32>
        %swap3A_385 = arith.constant 0 : index
        %swap3A_386 = tpu.vector_load %arg7[%swap3A_385] {strides = array<i32>} : memref<16xi32, #tpu.memory_space<vmem>>, vector<16xi32>,
        %swap3A_387 = vector.shape_cast %swap3A_386 : vector<16xi32> to vector<16xi32>
        %swap3A_388 = vector.shape_cast %add3A_384 : vector<16xi32> to vector<16xi32>
        tpu.vector_store %arg7[%swap3A_385], %swap3A_388 {strides = array<i32>} : memref<16xi32, #tpu.memory_space<vmem>>, vector<16xi32>,
        %mul3A_389 = arith.constant 16 : i32
        %mul3A_390 = arith.muli %and3A_374, %mul3A_389 : i32
        %add3A_391 = arith.addi %mul3A_2, %mul3A_390 : i32
        %add3A_392 = vector.broadcast %add3A_391 : i32 to vector<16xi32>
        %add3A_393 = arith.addi %add3A_392, %iota3A : vector<16xi32>
        %mul3A_394 = arith.constant 64 : i32
        %mul3A_395 = vector.broadcast %mul3A_394 : i32 to vector<16xi32>
        %mul3A_396 = arith.muli %add3A_393, %mul3A_395 : vector<16xi32>
        %add3A_397 = vector.broadcast %shift_right_logical3A_372 : i32 to vector<16xi32>
        %add3A_398 = arith.addi %mul3A_396, %add3A_397 : vector<16xi32>
        %swap3A_399 = arith.constant 0 : index
        %swap3A_400 = tpu.vector_load %arg15[%swap3A_399] {strides = array<i32>} : memref<16xi32, #tpu.memory_space<vmem>>, vector<16xi32>,
        %swap3A_401 = vector.shape_cast %swap3A_400 : vector<16xi32> to vector<16xi32>
        %swap3A_402 = vector.shape_cast %add3A_398 : vector<16xi32> to vector<16xi32>
        tpu.vector_store %arg15[%swap3A_399], %swap3A_402 {strides = array<i32>} : memref<16xi32, #tpu.memory_space<vmem>>, vector<16xi32>,
        %dma_start3A_403 = arith.constant 0 : i32
        %dma_start3A_404 = arith.constant 0 : i32
        %dma_start3A_405 = tpu.memref_slice %arg2[%dma_start3A_403, %dma_start3A_404] : memref<8192x768xf32, #tpu.memory_space<hbm>> -> memref<8192x768xf32, #tpu.memory_space<hbm>>
        tpu.enqueue_indirect_dma source(%dma_start3A_405 : memref<8192x768xf32, #tpu.memory_space<hbm>>) target(%arg23 : memref<16x768xf32, #tpu.memory_space<vmem>>) offsets(%arg7 : memref<16xi32, #tpu.memory_space<vmem>>) semaphore(%arg31 : memref<!tpu.dma_semaphore, #tpu.memory_space<semaphore_mem>>)
      } else {
      }
      %mul3A_321 = arith.constant 8 : i32
      %mul3A_322 = arith.muli %scan3A_174, %mul3A_321 : i32
      %add3A_323 = arith.constant 6 : i32
      %add3A_324 = arith.addi %mul3A_322, %add3A_323 : i32
      %dma_wait3A_325 = arith.constant 0 : i32
      %dma_wait3A_326 = arith.constant 0 : i32
      %dma_wait3A_327 = tpu.memref_slice %arg2[%dma_wait3A_325, %dma_wait3A_326] : memref<8192x768xf32, #tpu.memory_space<hbm>> -> memref<8192x768xf32, #tpu.memory_space<hbm>>
      tpu.wait_indirect_dma semaphore(%arg36 : memref<!tpu.dma_semaphore, #tpu.memory_space<semaphore_mem>>) src(%dma_wait3A_327 : memref<8192x768xf32, #tpu.memory_space<hbm>>) dst(%arg28 : memref<16x768xf32, #tpu.memory_space<vmem>>)
      %dma_start3A_328 = arith.constant 0 : i32
      %dma_start3A_329 = arith.constant 0 : i32
      %dma_start3A_330 = tpu.memref_slice %arg4[%dma_start3A_328, %dma_start3A_329] : memref<65536x768xf32, #tpu.memory_space<hbm>> -> memref<65536x768xf32, #tpu.memory_space<hbm>>
      tpu.enqueue_indirect_dma source(%arg28 : memref<16x768xf32, #tpu.memory_space<vmem>>) target(%dma_start3A_330 : memref<65536x768xf32, #tpu.memory_space<hbm>>) offsets(%arg20 : memref<16xi32, #tpu.memory_space<vmem>>) semaphore(%arg44 : memref<!tpu.dma_semaphore, #tpu.memory_space<semaphore_mem>>)
      %add3A_331 = arith.constant 4 : i32
      %add3A_332 = arith.addi %add3A_324, %add3A_331 : i32
      %lt3A_333 = arith.constant 128 : i32
      %lt3A_334 = arith.cmpi slt, %add3A_332, %lt3A_333 : i32
      %ge3A_335 = arith.constant 8 : i32
      %ge3A_336 = arith.cmpi sge, %add3A_332, %ge3A_335 : i32
      %and3A_337 = arith.andi %lt3A_334, %ge3A_336 : i1
      %convert_element_type3A_338 = arith.extui %and3A_337 : i1 to i32
      %cond3A_339 = arith.constant 0 : i32
      %cond3A_340 = arith.cmpi ne, %convert_element_type3A_338, %cond3A_339 : i32
      scf.if %cond3A_340 {
        %dma_wait3A_371 = arith.constant 0 : i32
        %dma_wait3A_372 = arith.constant 0 : i32
        %dma_wait3A_373 = tpu.memref_slice %arg4[%dma_wait3A_371, %dma_wait3A_372] : memref<65536x768xf32, #tpu.memory_space<hbm>> -> memref<65536x768xf32, #tpu.memory_space<hbm>>
        tpu.wait_indirect_dma semaphore(%arg40 : memref<!tpu.dma_semaphore, #tpu.memory_space<semaphore_mem>>) src(%arg24 : memref<16x768xf32, #tpu.memory_space<vmem>>) dst(%dma_wait3A_373 : memref<65536x768xf32, #tpu.memory_space<hbm>>)
      } else {
      }
      %lt3A_341 = arith.constant 128 : i32
      %lt3A_342 = arith.cmpi slt, %add3A_332, %lt3A_341 : i32
      %convert_element_type3A_343 = arith.extui %lt3A_342 : i1 to i32
      %cond3A_344 = arith.constant 0 : i32
      %cond3A_345 = arith.cmpi ne, %convert_element_type3A_343, %cond3A_344 : i32
      scf.if %cond3A_345 {
        %shift_right_logical3A_371 = arith.constant 1 : i32
        %shift_right_logical3A_372 = arith.shrui %add3A_332, %shift_right_logical3A_371 : i32
        %and3A_373 = arith.constant 1 : i32
        %and3A_374 = arith.andi %add3A_332, %and3A_373 : i32
        %mul3A_375 = arith.constant 16 : i32
        %mul3A_376 = arith.muli %and3A_374, %mul3A_375 : i32
        %get3A_377 = arith.index_cast %mul3A_376 : i32 to index
        %get3A_378 = tpu.vector_load %arg5[%get3A_377] {strides = array<i32>} : memref<32xi32, #tpu.memory_space<vmem>>, vector<16xi32>,
        %get3A_379 = vector.shape_cast %get3A_378 : vector<16xi32> to vector<16xi32>
        %mul3A_380 = arith.constant 64 : i32
        %mul3A_381 = vector.broadcast %mul3A_380 : i32 to vector<16xi32>
        %mul3A_382 = arith.muli %get3A_379, %mul3A_381 : vector<16xi32>
        %add3A_383 = vector.broadcast %shift_right_logical3A_372 : i32 to vector<16xi32>
        %add3A_384 = arith.addi %mul3A_382, %add3A_383 : vector<16xi32>
        %swap3A_385 = arith.constant 0 : index
        %swap3A_386 = tpu.vector_load %arg8[%swap3A_385] {strides = array<i32>} : memref<16xi32, #tpu.memory_space<vmem>>, vector<16xi32>,
        %swap3A_387 = vector.shape_cast %swap3A_386 : vector<16xi32> to vector<16xi32>
        %swap3A_388 = vector.shape_cast %add3A_384 : vector<16xi32> to vector<16xi32>
        tpu.vector_store %arg8[%swap3A_385], %swap3A_388 {strides = array<i32>} : memref<16xi32, #tpu.memory_space<vmem>>, vector<16xi32>,
        %mul3A_389 = arith.constant 16 : i32
        %mul3A_390 = arith.muli %and3A_374, %mul3A_389 : i32
        %add3A_391 = arith.addi %mul3A_2, %mul3A_390 : i32
        %add3A_392 = vector.broadcast %add3A_391 : i32 to vector<16xi32>
        %add3A_393 = arith.addi %add3A_392, %iota3A : vector<16xi32>
        %mul3A_394 = arith.constant 64 : i32
        %mul3A_395 = vector.broadcast %mul3A_394 : i32 to vector<16xi32>
        %mul3A_396 = arith.muli %add3A_393, %mul3A_395 : vector<16xi32>
        %add3A_397 = vector.broadcast %shift_right_logical3A_372 : i32 to vector<16xi32>
        %add3A_398 = arith.addi %mul3A_396, %add3A_397 : vector<16xi32>
        %swap3A_399 = arith.constant 0 : index
        %swap3A_400 = tpu.vector_load %arg16[%swap3A_399] {strides = array<i32>} : memref<16xi32, #tpu.memory_space<vmem>>, vector<16xi32>,
        %swap3A_401 = vector.shape_cast %swap3A_400 : vector<16xi32> to vector<16xi32>
        %swap3A_402 = vector.shape_cast %add3A_398 : vector<16xi32> to vector<16xi32>
        tpu.vector_store %arg16[%swap3A_399], %swap3A_402 {strides = array<i32>} : memref<16xi32, #tpu.memory_space<vmem>>, vector<16xi32>,
        %dma_start3A_403 = arith.constant 0 : i32
        %dma_start3A_404 = arith.constant 0 : i32
        %dma_start3A_405 = tpu.memref_slice %arg2[%dma_start3A_403, %dma_start3A_404] : memref<8192x768xf32, #tpu.memory_space<hbm>> -> memref<8192x768xf32, #tpu.memory_space<hbm>>
        tpu.enqueue_indirect_dma source(%dma_start3A_405 : memref<8192x768xf32, #tpu.memory_space<hbm>>) target(%arg24 : memref<16x768xf32, #tpu.memory_space<vmem>>) offsets(%arg8 : memref<16xi32, #tpu.memory_space<vmem>>) semaphore(%arg32 : memref<!tpu.dma_semaphore, #tpu.memory_space<semaphore_mem>>)
      } else {
      }
      %mul3A_346 = arith.constant 8 : i32
      %mul3A_347 = arith.muli %scan3A_174, %mul3A_346 : i32
      %add3A_348 = arith.constant 7 : i32
      %add3A_349 = arith.addi %mul3A_347, %add3A_348 : i32
      %dma_wait3A_350 = arith.constant 0 : i32
      %dma_wait3A_351 = arith.constant 0 : i32
      %dma_wait3A_352 = tpu.memref_slice %arg2[%dma_wait3A_350, %dma_wait3A_351] : memref<8192x768xf32, #tpu.memory_space<hbm>> -> memref<8192x768xf32, #tpu.memory_space<hbm>>
      tpu.wait_indirect_dma semaphore(%arg37 : memref<!tpu.dma_semaphore, #tpu.memory_space<semaphore_mem>>) src(%dma_wait3A_352 : memref<8192x768xf32, #tpu.memory_space<hbm>>) dst(%arg29 : memref<16x768xf32, #tpu.memory_space<vmem>>)
      %dma_start3A_353 = arith.constant 0 : i32
      %dma_start3A_354 = arith.constant 0 : i32
      %dma_start3A_355 = tpu.memref_slice %arg4[%dma_start3A_353, %dma_start3A_354] : memref<65536x768xf32, #tpu.memory_space<hbm>> -> memref<65536x768xf32, #tpu.memory_space<hbm>>
      tpu.enqueue_indirect_dma source(%arg29 : memref<16x768xf32, #tpu.memory_space<vmem>>) target(%dma_start3A_355 : memref<65536x768xf32, #tpu.memory_space<hbm>>) offsets(%arg21 : memref<16xi32, #tpu.memory_space<vmem>>) semaphore(%arg45 : memref<!tpu.dma_semaphore, #tpu.memory_space<semaphore_mem>>)
      %add3A_356 = arith.constant 4 : i32
      %add3A_357 = arith.addi %add3A_349, %add3A_356 : i32
      %lt3A_358 = arith.constant 128 : i32
      %lt3A_359 = arith.cmpi slt, %add3A_357, %lt3A_358 : i32
      %ge3A_360 = arith.constant 8 : i32
      %ge3A_361 = arith.cmpi sge, %add3A_357, %ge3A_360 : i32
      %and3A_362 = arith.andi %lt3A_359, %ge3A_361 : i1
      %convert_element_type3A_363 = arith.extui %and3A_362 : i1 to i32
      %cond3A_364 = arith.constant 0 : i32
      %cond3A_365 = arith.cmpi ne, %convert_element_type3A_363, %cond3A_364 : i32
      scf.if %cond3A_365 {
        %dma_wait3A_371 = arith.constant 0 : i32
        %dma_wait3A_372 = arith.constant 0 : i32
        %dma_wait3A_373 = tpu.memref_slice %arg4[%dma_wait3A_371, %dma_wait3A_372] : memref<65536x768xf32, #tpu.memory_space<hbm>> -> memref<65536x768xf32, #tpu.memory_space<hbm>>
        tpu.wait_indirect_dma semaphore(%arg41 : memref<!tpu.dma_semaphore, #tpu.memory_space<semaphore_mem>>) src(%arg25 : memref<16x768xf32, #tpu.memory_space<vmem>>) dst(%dma_wait3A_373 : memref<65536x768xf32, #tpu.memory_space<hbm>>)
      } else {
      }
      %lt3A_366 = arith.constant 128 : i32
      %lt3A_367 = arith.cmpi slt, %add3A_357, %lt3A_366 : i32
      %convert_element_type3A_368 = arith.extui %lt3A_367 : i1 to i32
      %cond3A_369 = arith.constant 0 : i32
      %cond3A_370 = arith.cmpi ne, %convert_element_type3A_368, %cond3A_369 : i32
      scf.if %cond3A_370 {
        %shift_right_logical3A_371 = arith.constant 1 : i32
        %shift_right_logical3A_372 = arith.shrui %add3A_357, %shift_right_logical3A_371 : i32
        %and3A_373 = arith.constant 1 : i32
        %and3A_374 = arith.andi %add3A_357, %and3A_373 : i32
        %mul3A_375 = arith.constant 16 : i32
        %mul3A_376 = arith.muli %and3A_374, %mul3A_375 : i32
        %get3A_377 = arith.index_cast %mul3A_376 : i32 to index
        %get3A_378 = tpu.vector_load %arg5[%get3A_377] {strides = array<i32>} : memref<32xi32, #tpu.memory_space<vmem>>, vector<16xi32>,
        %get3A_379 = vector.shape_cast %get3A_378 : vector<16xi32> to vector<16xi32>
        %mul3A_380 = arith.constant 64 : i32
        %mul3A_381 = vector.broadcast %mul3A_380 : i32 to vector<16xi32>
        %mul3A_382 = arith.muli %get3A_379, %mul3A_381 : vector<16xi32>
        %add3A_383 = vector.broadcast %shift_right_logical3A_372 : i32 to vector<16xi32>
        %add3A_384 = arith.addi %mul3A_382, %add3A_383 : vector<16xi32>
        %swap3A_385 = arith.constant 0 : index
        %swap3A_386 = tpu.vector_load %arg9[%swap3A_385] {strides = array<i32>} : memref<16xi32, #tpu.memory_space<vmem>>, vector<16xi32>,
        %swap3A_387 = vector.shape_cast %swap3A_386 : vector<16xi32> to vector<16xi32>
        %swap3A_388 = vector.shape_cast %add3A_384 : vector<16xi32> to vector<16xi32>
        tpu.vector_store %arg9[%swap3A_385], %swap3A_388 {strides = array<i32>} : memref<16xi32, #tpu.memory_space<vmem>>, vector<16xi32>,
        %mul3A_389 = arith.constant 16 : i32
        %mul3A_390 = arith.muli %and3A_374, %mul3A_389 : i32
        %add3A_391 = arith.addi %mul3A_2, %mul3A_390 : i32
        %add3A_392 = vector.broadcast %add3A_391 : i32 to vector<16xi32>
        %add3A_393 = arith.addi %add3A_392, %iota3A : vector<16xi32>
        %mul3A_394 = arith.constant 64 : i32
        %mul3A_395 = vector.broadcast %mul3A_394 : i32 to vector<16xi32>
        %mul3A_396 = arith.muli %add3A_393, %mul3A_395 : vector<16xi32>
        %add3A_397 = vector.broadcast %shift_right_logical3A_372 : i32 to vector<16xi32>
        %add3A_398 = arith.addi %mul3A_396, %add3A_397 : vector<16xi32>
        %swap3A_399 = arith.constant 0 : index
        %swap3A_400 = tpu.vector_load %arg17[%swap3A_399] {strides = array<i32>} : memref<16xi32, #tpu.memory_space<vmem>>, vector<16xi32>,
        %swap3A_401 = vector.shape_cast %swap3A_400 : vector<16xi32> to vector<16xi32>
        %swap3A_402 = vector.shape_cast %add3A_398 : vector<16xi32> to vector<16xi32>
        tpu.vector_store %arg17[%swap3A_399], %swap3A_402 {strides = array<i32>} : memref<16xi32, #tpu.memory_space<vmem>>, vector<16xi32>,
        %dma_start3A_403 = arith.constant 0 : i32
        %dma_start3A_404 = arith.constant 0 : i32
        %dma_start3A_405 = tpu.memref_slice %arg2[%dma_start3A_403, %dma_start3A_404] : memref<8192x768xf32, #tpu.memory_space<hbm>> -> memref<8192x768xf32, #tpu.memory_space<hbm>>
        tpu.enqueue_indirect_dma source(%dma_start3A_405 : memref<8192x768xf32, #tpu.memory_space<hbm>>) target(%arg25 : memref<16x768xf32, #tpu.memory_space<vmem>>) offsets(%arg9 : memref<16xi32, #tpu.memory_space<vmem>>) semaphore(%arg33 : memref<!tpu.dma_semaphore, #tpu.memory_space<semaphore_mem>>)
      } else {
      }
    }
    %scan3A_150 = arith.constant 16 : i32
    %dma_wait3A = arith.constant 0 : i32
    %dma_wait3A_151 = arith.constant 0 : i32
    %dma_wait3A_152 = tpu.memref_slice %arg4[%dma_wait3A, %dma_wait3A_151] : memref<65536x768xf32, #tpu.memory_space<hbm>> -> memref<65536x768xf32, #tpu.memory_space<hbm>>
    tpu.wait_indirect_dma semaphore(%arg38 : memref<!tpu.dma_semaphore, #tpu.memory_space<semaphore_mem>>) src(%arg22 : memref<16x768xf32, #tpu.memory_space<vmem>>) dst(%dma_wait3A_152 : memref<65536x768xf32, #tpu.memory_space<hbm>>)
    %dma_wait3A_153 = arith.constant 0 : i32
    %dma_wait3A_154 = arith.constant 0 : i32
    %dma_wait3A_155 = tpu.memref_slice %arg4[%dma_wait3A_153, %dma_wait3A_154] : memref<65536x768xf32, #tpu.memory_space<hbm>> -> memref<65536x768xf32, #tpu.memory_space<hbm>>
    tpu.wait_indirect_dma semaphore(%arg39 : memref<!tpu.dma_semaphore, #tpu.memory_space<semaphore_mem>>) src(%arg23 : memref<16x768xf32, #tpu.memory_space<vmem>>) dst(%dma_wait3A_155 : memref<65536x768xf32, #tpu.memory_space<hbm>>)
    %dma_wait3A_156 = arith.constant 0 : i32
    %dma_wait3A_157 = arith.constant 0 : i32
    %dma_wait3A_158 = tpu.memref_slice %arg4[%dma_wait3A_156, %dma_wait3A_157] : memref<65536x768xf32, #tpu.memory_space<hbm>> -> memref<65536x768xf32, #tpu.memory_space<hbm>>
    tpu.wait_indirect_dma semaphore(%arg40 : memref<!tpu.dma_semaphore, #tpu.memory_space<semaphore_mem>>) src(%arg24 : memref<16x768xf32, #tpu.memory_space<vmem>>) dst(%dma_wait3A_158 : memref<65536x768xf32, #tpu.memory_space<hbm>>)
    %dma_wait3A_159 = arith.constant 0 : i32
    %dma_wait3A_160 = arith.constant 0 : i32
    %dma_wait3A_161 = tpu.memref_slice %arg4[%dma_wait3A_159, %dma_wait3A_160] : memref<65536x768xf32, #tpu.memory_space<hbm>> -> memref<65536x768xf32, #tpu.memory_space<hbm>>
    tpu.wait_indirect_dma semaphore(%arg41 : memref<!tpu.dma_semaphore, #tpu.memory_space<semaphore_mem>>) src(%arg25 : memref<16x768xf32, #tpu.memory_space<vmem>>) dst(%dma_wait3A_161 : memref<65536x768xf32, #tpu.memory_space<hbm>>)
    %dma_wait3A_162 = arith.constant 0 : i32
    %dma_wait3A_163 = arith.constant 0 : i32
    %dma_wait3A_164 = tpu.memref_slice %arg4[%dma_wait3A_162, %dma_wait3A_163] : memref<65536x768xf32, #tpu.memory_space<hbm>> -> memref<65536x768xf32, #tpu.memory_space<hbm>>
    tpu.wait_indirect_dma semaphore(%arg42 : memref<!tpu.dma_semaphore, #tpu.memory_space<semaphore_mem>>) src(%arg26 : memref<16x768xf32, #tpu.memory_space<vmem>>) dst(%dma_wait3A_164 : memref<65536x768xf32, #tpu.memory_space<hbm>>)
    %dma_wait3A_165 = arith.constant 0 : i32
    %dma_wait3A_166 = arith.constant 0 : i32
    %dma_wait3A_167 = tpu.memref_slice %arg4[%dma_wait3A_165, %dma_wait3A_166] : memref<65536x768xf32, #tpu.memory_space<hbm>> -> memref<65536x768xf32, #tpu.memory_space<hbm>>
    tpu.wait_indirect_dma semaphore(%arg43 : memref<!tpu.dma_semaphore, #tpu.memory_space<semaphore_mem>>) src(%arg27 : memref<16x768xf32, #tpu.memory_space<vmem>>) dst(%dma_wait3A_167 : memref<65536x768xf32, #tpu.memory_space<hbm>>)
    %dma_wait3A_168 = arith.constant 0 : i32
    %dma_wait3A_169 = arith.constant 0 : i32
    %dma_wait3A_170 = tpu.memref_slice %arg4[%dma_wait3A_168, %dma_wait3A_169] : memref<65536x768xf32, #tpu.memory_space<hbm>> -> memref<65536x768xf32, #tpu.memory_space<hbm>>
    tpu.wait_indirect_dma semaphore(%arg44 : memref<!tpu.dma_semaphore, #tpu.memory_space<semaphore_mem>>) src(%arg28 : memref<16x768xf32, #tpu.memory_space<vmem>>) dst(%dma_wait3A_170 : memref<65536x768xf32, #tpu.memory_space<hbm>>)
    %dma_wait3A_171 = arith.constant 0 : i32
    %dma_wait3A_172 = arith.constant 0 : i32
    %dma_wait3A_173 = tpu.memref_slice %arg4[%dma_wait3A_171, %dma_wait3A_172] : memref<65536x768xf32, #tpu.memory_space<hbm>> -> memref<65536x768xf32, #tpu.memory_space<hbm>>
    tpu.wait_indirect_dma semaphore(%arg45 : memref<!tpu.dma_semaphore, #tpu.memory_space<semaphore_mem>>) src(%arg29 : memref<16x768xf32, #tpu.memory_space<vmem>>) dst(%dma_wait3A_173 : memref<65536x768xf32, #tpu.memory_space<hbm>>)
    return
  }
}

</mosaic_0001>

<sc_bundles>
// kernel: _run.3.cloned.1.call-start
scs
__scs_entry_jumppad:
0x0: {  	(pc) =	sbr.rel $0x88, $3  }
0x1: {  	(tag) =	ssettag $0x0;
	lr =	simm.s32 $0x1  }
0x2: {  	[smem:$0x3F9F] =	sst lr;
	_ =	strace $0xD0000000  }
0x3: {  	_ = 	snop  }
0x4: {  	_ = 	snop  }
0x5: {  	_ = 	snop  }
0x6: {  	_ = 	snop  }
0x7: {  	_ = 	snop  }
__scs_overlays_trampoline_lowered:
0x8: {  	[smem:$0x3FAE] =	sst s0  }
0x9: {  	[smem:$0x3FAF] =	sst s1  }
0xa: {  	[smem:$0x3FB0] =	sst s2  }
0xb: {  	[smem:$0x3FB1] =	sst s3  }
0xc: {  	[smem:$0x3FB2] =	sst s4  }
0xd: {  	[smem:$0x3FB3] =	sst s5  }
0xe: {  	[smem:$0x3FB4] =	sst s6  }
0xf: {  	[smem:$0x3FB5] =	sst s7  }
0x10: {  	[smem:$0x3FB6] =	sst s8  }
0x11: {  	[smem:$0x3FB7] =	sst s9;
	s0 =	simm.s32 @!p0 $0x0  }
0x12: {  	s1 =	sld [smem:$0x3F9D];
	s0 =	simm.s32 @p0 $0x1  }
0x13: {  	[smem:$0x3FB8] =	sst s0;
	s0 =	simm.s32 @!p1 $0x0  }
0x14: {  	s2 =	sld [smem:$0x3F9C];
	s0 =	simm.s32 @p1 $0x1  }
0x15: {  	[smem:$0x3FB9] =	sst s0;
	s0 =	simm.s32 @!p2 $0x0  }
0x16: {  	s3 =	sld [smem:$0x3FDB];
	s0 =	simm.s32 @p2 $0x1  }
0x17: {  	s4 =	simm.s32 $0x1BF5;
	[smem:$0x3FBB] =	sst s0  }
0x18: {  	s0 =	sld [smem:$0x3F9E];
	_ =	swait.ge [sflag:s4], $0x0  }
0x19: {  	s7 =	sld [smem:$0x3F9F]  }
0x1a: {  	s8 =	sadd.s32 $0xFFFFE003, lr  }
0x1b: {  	s9 =	sadd.s32 $0xFFFFFEF7, lr;
	s5 =	simm.s32 $0xFFFFFFFF;
	p2 =	slt.u32 s8, $0xFFFFF086  }
0x1c: {  	p1 =	slt.u32 s9, $0xF7A;
	s5 =	simm.s32 @!p2 $0x0  }
0x1d: {  	s5 =	simm.s32 @p1 $0x1;
	p0 =	seq.s32 s7, s2  }
0x1e: {  	s7 =	smul.u32 @!p0 $0xF7A, s2;
	p2 =	seq.s32 @!p0 s5, $0x0  }
0x1f: {  	s9 =	smul.u32 $0xF7A, s1;
	s8 =	simm.s32 @!p0 $0x1BF5;
	p2 =	por !p2, p0  }
0x20: {  	[sflag:s8] =	ssyncset.s32 @!p0 $0xFFFFF086;
	s6 =	sadd.s32 @!p0 s3, s7;
	s7 =	simm.s32 @!p0 $0x108  }
0x21: {  	s3 =	sadd.s32 s3, s9;
	s6 =	sadd.s32 @!p0 $0x88, s6;
	s7 =	simm.s32 @p2 $0x1082  }
0x22: {  	[simem:s7], [sflag:s8] =	dma.local @!p0 [hbm:s6], $0xF7A  }
0x23: {  	s9 =	sor.u32 $0xD0000000, s2;
	s6 =	simm.s32 $0x108;
	_ =	swait.ge @!p0 [sflag:s8], $0x0  }
0x24: {  	s3 =	sadd.s32 $0x88, s3;
	s6 =	simm.s32 @!p1 $0x1082;
	[sflag:s4] =	ssyncset.s32 $0xFFFFF086  }
0x25: {  	[simem:s6], [sflag:s4] =	dma.local [hbm:s3], $0xF7A  }
0x26: {  	[smem:$0x3F9F] =	sst s1;
	(tag) =	ssettag s2;
	_ =	strace s9  }
0x27: {  	s1 =	sld [smem:$0x3FAF]  }
0x28: {  	s2 =	sld [smem:$0x3FB0]  }
0x29: {  	s4 =	sld [smem:$0x3FB2]  }
0x2a: {  	p0 =	seq.s32 s5, $0x0;
	s5 =	sld [smem:$0x3FB3]  }
0x2b: {  	s6 =	sld [smem:$0x3FB4]  }
0x2c: {  	s7 =	sld [smem:$0x3FB5]  }
0x2d: {  	s3 =	simm.s32 $0x108;
	s8 =	sld [smem:$0x3FB6]  }
0x2e: {  	s3 =	simm.s32 @!p0 $0x1082;
	s9 =	sld [smem:$0x3FB7]  }
0x2f: {  	lr =	sadd.s32 s0, s3;
	s0 =	sld [smem:$0x3FAE]  }
0x30: {  	s3 =	sld [smem:$0x3FB1]  }
0x31: {  	[smem:$0x3FBA] =	sst s10  }
0x32: {  	s10 =	sld [smem:$0x3FB8];
	_ =	sdelay $0x3  }
0x33: {  	p0 =	seq.s32 s10, $0x1;
	s10 =	sld [smem:$0x3FBA];
	_ =	sdelay $0x3  }
0x34: {  	[smem:$0x3FBA] =	sst s10  }
0x35: {  	s10 =	sld [smem:$0x3FB9];
	_ =	sdelay $0x3  }
0x36: {  	p1 =	seq.s32 s10, $0x1;
	s10 =	sld [smem:$0x3FBA];
	_ =	sdelay $0x3  }
0x37: {  	[smem:$0x3FBA] =	sst s10  }
0x38: {  	s10 =	sld [smem:$0x3FBB]  }
0x39: {  	_ = 	snop;
	(pc) =	sbr.ind lr, $3  }
0x3a: {  	_ = 	snop  }
0x3b: {  	_ = 	snop  }
0x3c: {  	p2 =	seq.s32 s10, $0x1;
	s10 =	sld [smem:$0x3FBA]  }
0x3d: {  	_ =	shalt  }
0x3e: {  	_ =	shalt  }
0x3f: {  	_ =	shalt  }
0x40: {  	_ =	shalt  }
0x41: {  	_ =	shalt  }
0x42: {  	_ =	shalt  }
0x43: {  	_ =	shalt  }
0x44: {  	_ =	shalt  }
0x45: {  	_ =	shalt  }
0x46: {  	_ =	shalt  }
0x47: {  	_ =	shalt  }
0x48: {  	_ =	shalt  }
0x49: {  	_ =	shalt  }
0x4a: {  	_ =	shalt  }
0x4b: {  	_ =	shalt  }
0x4c: {  	_ =	shalt  }
0x4d: {  	_ =	shalt  }
0x4e: {  	_ =	shalt  }
0x4f: {  	_ =	shalt  }
0x50: {  	_ =	shalt  }
0x51: {  	_ =	shalt  }
0x52: {  	_ =	shalt  }
0x53: {  	_ =	shalt  }
0x54: {  	_ =	shalt  }
0x55: {  	_ =	shalt  }
0x56: {  	_ =	shalt  }
0x57: {  	_ =	shalt  }
0x58: {  	_ =	shalt  }
0x59: {  	_ =	shalt  }
0x5a: {  	_ =	shalt  }
0x5b: {  	_ =	shalt  }
0x5c: {  	_ =	shalt  }
0x5d: {  	_ =	shalt  }
0x5e: {  	_ =	shalt  }
0x5f: {  	_ =	shalt  }
0x60: {  	_ =	shalt  }
0x61: {  	_ =	shalt  }
0x62: {  	_ =	shalt  }
0x63: {  	_ =	shalt  }
0x64: {  	_ =	shalt  }
0x65: {  	_ =	shalt  }
0x66: {  	_ =	shalt  }
0x67: {  	_ =	shalt  }
0x68: {  	_ =	shalt  }
0x69: {  	_ =	shalt  }
0x6a: {  	_ =	shalt  }
0x6b: {  	_ =	shalt  }
0x6c: {  	_ =	shalt  }
0x6d: {  	_ =	shalt  }
0x6e: {  	_ =	shalt  }
0x6f: {  	_ =	shalt  }
0x70: {  	_ =	shalt  }
0x71: {  	_ =	shalt  }
0x72: {  	_ =	shalt  }
0x73: {  	_ =	shalt  }
0x74: {  	_ =	shalt  }
0x75: {  	_ =	shalt  }
0x76: {  	_ =	shalt  }
0x77: {  	_ =	shalt  }
0x78: {  	_ =	shalt  }
0x79: {  	_ =	shalt  }
0x7a: {  	_ =	shalt  }
0x7b: {  	_ =	shalt  }
0x7c: {  	_ =	shalt  }
0x7d: {  	_ =	shalt  }
0x7e: {  	_ =	shalt  }
0x7f: {  	_ =	shalt  }
0x80: {  	_ =	shalt  }
0x81: {  	_ =	shalt  }
0x82: {  	_ =	shalt  }
0x83: {  	_ =	shalt  }
0x84: {  	_ =	shalt  }
0x85: {  	_ =	shalt  }
0x86: {  	_ =	shalt  }
0x87: {  	_ =	shalt  }
.Lfunc_end0:
.L_simem_size_0:
called_computation_lowered:
.L_overlay_start_0:
0x88: {  	s2 =	sld [smem:$0x3FD9]  }
0x89: {  	s3 =	sld [smem:$0x3FFE];
	_ =	sdelay $0x1  }
0x8a: {  	s1 =	srdreg.scid  }
0x8b: {  	s0 =	sand.u32 $0x1, s1  }
0x8c: {  	s18 =	sshll.u32 s0, $0xA;
	s2 =	sadd.s32 s3, s2  }
0x8d: {  	s2 =	sadd.s32 s2, s18  }
0x8e: {  	[smem:$0x3FC6] =	sst s2  }
0x8f: {  	_ = 	snop  }
0x90: {  	s2 =	sld [smem:$0x3FC9]  }
0x91: {  	s19 =	sld [smem:$0x3FC8]  }
0x92: {  	s4 =	sld [smem:$0x3FD0];
	(tm) =	ssettm $0x1  }
0x93: {  	s5 =	sld [smem:$0x3FFB];
	_ =	sdelay $0x3  }
0x94: {  	_ =	strace s5  }
0x95: {  	s5 =	sld [smem:$0x3FFC];
	_ =	sdelay $0x3  }
0x96: {  	_ =	strace s5  }
0x97: {  	s5 =	sld [smem:$0x3FFD];
	_ =	sdelay $0x3  }
0x98: {  	_ =	strace s5  }
0x99: {  	_ =	strace $0x8FFFFFFF  }
0x9a: {  	s20 =	sld [smem:$0x3FDB];
	_ =	sdelay $0x1  }
0x9b: {  	s6 =	simm.s32 $_scs_section_size  }
0x9c: {  	s7 =	simm.s32 $_size__tile_overlayer_lowered;
	s8 =	simm.s32 $_tile_overlayer_lowered  }
0x9d: {  	s23 =	simm.s32 $0x1BFF;
	s22 =	sshll.u32 s8, $0x1;
	s5 =	sadd.s32 s6, s20  }
0x9e: {  	s9 =	simm.s32 $0x0;
	s21 =	sshll.u32 s7, $0x1;
	s7 =	sadd.s32 s22, s5  }
0x9f: {  	[timem:s9], [sflag:s23] =	dma.local [hbm:s7], s21  }
0xa0: {  	_ =	swait.ge [sflag:s23], s21  }
0xa1: {  	s6 =	ssub.s32 $0x0, s21;
	[sflag:s23] =	ssyncset.done $0x0  }
0xa2: {  	[sflag:s23] =	ssyncadd.s32 s6;
	_ =	sdelay $0x1  }
0xa3: {  	s24 =	simm.s32 $0x1B8B  }
0xa4: {  	_ =	swait.ge [sflag:s24], $0x1  }
0xa5: {  	[sflag:s24] =	ssyncset.done $0x0  }
0xa6: {  	s25 =	simm.s32 $0x1B8E;
	[sflag:s24] =	ssyncadd.s32 $0xFFFFFFFF  }
0xa7: {  	s26 =	simm.s32 $execute0_lowered;
	[smem:$0x3FD2] =	sst s25  }
0xa8: {  	s6 =	sshll.u32 s26, $0x1;
	_ =	strace $0x80000046;
	[dreg:$0x1] =	wrdreg $0xFFFFFFFF  }
0xa9: {  	s28 =	simm.s32 $_size_execute0_lowered;
	s5 =	sadd.s32 s5, s6;
	[dreg:$0x0] =	wrdreg $0x0  }
0xaa: {  	s6 =	sshll.u32 s28, $0x1;
	[dreg:$0x2] =	wrdreg s5  }
0xab: {  	[dreg:$0x3] =	wrdreg s6  }
0xac: {  	[dreg:$0x4] =	wrdreg $0xC0  }
0xad: {  	_ =	task [dreg:s9], $0x5FFFF  }
0xae: {  	[dreg:$0x1] =	wrdreg $0xFFFFFFFF  }
0xaf: {  	[dreg:$0x0] =	wrdreg $0x60  }
0xb0: {  	[dreg:$0x2] =	wrdreg s19  }
0xb1: {  	[dreg:$0x3] =	wrdreg s2  }
0xb2: {  	[dreg:$0x4] =	wrdreg s4  }
0xb3: {  	[dreg:$0x5] =	wrdreg $0x9  }
0xb4: {  	_ =	task.clear_ibuf [dreg:s9], $0x6FFFF;
	_ =	strace $0x90000046  }
0xb5: {  	s29 =	simm.s32 $0x9;
	_ =	strace $0x80000048  }
0xb6: {  	_ =	swait.ge [sflag:s29], $0x1  }
0xb7: {  	[sflag:s29] =	ssyncadd.s32 $0xFFFFFFFF  }
0xb8: {  	_ =	strace $0x90000048  }
0xb9: {  	_ =	sfence  }
0xba: {  	s30 =	sld [smem:$0x0];
	_ =	sdelay $0x2  }
0xbb: {  	s31 =	sshll.u32 s1, $0xD;
	s1 =	sshrl.u32 s1, $0x2  }
0xbc: {  	s3 =	sand.u32 $0x4000, s31;
	s1 =	sadd.s32 s1, s30  }
0xbd: {  	s0 =	sor.u32 s3, s0;
	s1 =	sshll.u32 s1, $0x11  }
0xbe: {  	s0 =	sor.u32 s1, s0  }
0xbf: {  	s0 =	sadd.s32 $0x8F2B, s0  }
0xc0: {  	[sflag:s0] =	ssyncadd.remote.s32 $0x1  }
0xc1: {  	_ =	sfence.sel $0xFFFF  }
0xc2: {  	[dreg:$0x0] =	wrdreg $0xFFFFFFFF;
	(pc) =	sbr.abs _section_cstart, $3  }
0xc3: {  	[dreg:$0x1] =	wrdreg $0xFFFFFFFF  }
0xc4: {  	_ =	task.clear_ibuf [dreg:s9], $0x2FFFF;
	_ =	strace $0x9FFFFFFF  }
0xc5: {  	(tm) =	ssettm $0x7FFFFFFF  }
tec
execute0_lowered:
.L_overlay_start_1:
0x0: {  	(tag) =	ssettag $0x1  }
0x1: {  	s2 =	rddreg [dreg:$0x0]  }
0x2: {  	s0 =	rddreg [dreg:$0x1];
	s1 =	srdreg.scid  }
0x3: {  	s3 =	rddreg [dreg:$0x2];
	s4 =	stileid.u32  }
0x4: {  	s29 =	simm.s32 $0x9880;
	s30 =	simm.s32 $0xA080;
	s31 =	simm.s32 $0xA880  }
0x5: {  	s10 =	simm.s32 $0xC080;
	s13 =	simm.s32 $0xD080;
	s14 =	simm.s32 $0xD880  }
0x6: {  	s16 =	simm.s32 $0xE880;
	s17 =	simm.s32 $0x11080;
	s18 =	simm.s32 $0x11880  }
0x7: {  	s20 =	simm.s32 $0x12080;
	s1 =	sand.u32 $0x1, s1;
	s5 =	sshll.u32 s4, $0x6  }
0x8: {  	s4 =	simm.s32 $0x0;
	s7 =	sadd.s32 $0x200, s2;
	s8 =	sadd.s32 $0x100, s3  }
0x9: {  	s9 =	sadd.s32 $0x200, s3;
	s6 =	sshll.u32 s1, $0x5;
	s1 =	ssub.s32 $0x2, s1  }
0xa: {  	v6 =	vlaneseq.u32;
	[smem:$0x7FF] =	sst s4;
	s11 =	sor.u32 s6, s5;
	s26 =	sshrl.u32 s1, $0x1  }
.Ltmp0:
0xb: {  	vm0 =	vmmov $0xffff;
	v1 =	vmul.u32 $0x40, v6;
	_ =	strace $0x80000047;
	s15 =	sor.u32 $0x10, s11;
	(pc) =	sbr.rel .LBB2_1-.Ltmp0, $4  }
0xc: {  	v4 =	vand.u32 $0x7, v6;
	s5 =	simm.s32 $0x0;
	s6 =	sshrl.u32 s11, $0x3;
	s1 =	ssub.s32 s1, s26;
	v0 =	vmov s11;
	v2 =	vmov s15  }
0xd: {  	v5 =	vshrl.u32 v6, $0x3;
	s26 =	simm.s32 $0x10080;
	s0 =	sadd.s32 s0, s6;
	s6 =	sadd.s32 $0x100, s2;
	v0 =	vshll.u32 v0, $0x6;
	v2 =	vshll.u32 v2, $0x6  }
0xe: {  	v6 =	vor.u32 $0x8, v6;
	s28 =	smax.u32 s1, $0x1;
	s1 =	simm.s32 $0xB880;
	[dreg:$0x4] =	wrdreg s0;
	v0 =	vor.u32 v1, v0;
	v1 =	vor.u32 v1, v2  }
0xf: {  	v5 =	vmul.u32 $0x8, v5;
	s15 =	simm.s32 $0xE080;
	[dreg:$0x5] =	wrdreg s28;
	s0 =	simm.s32 $0xB080;
	v2 =	vor.u32 $0x1, v0;
	v3 =	vor.u32 $0x1, v1  }
.LBB2_4:
0x10: {  	s0 =	simm.s32 $0x9  }
0x11: {  	_ =	swait.ge [sflag:s0], $0x3000  }
0x12: {  	[sflag:s0] =	ssyncset.done $0x0  }
0x13: {  	s19 =	simm.s32 $0xA;
	[sflag:s0] =	ssyncadd.s32 $0xFFFFD000  }
0x14: {  	_ =	swait.ge [sflag:s19], $0x3000  }
0x15: {  	[sflag:s19] =	ssyncset.done $0x0  }
0x16: {  	s21 =	simm.s32 $0xB;
	[sflag:s19] =	ssyncadd.s32 $0xFFFFD000  }
0x17: {  	_ =	swait.ge [sflag:s21], $0x3000  }
0x18: {  	[sflag:s21] =	ssyncset.done $0x0  }
0x19: {  	s22 =	simm.s32 $0xC;
	[sflag:s21] =	ssyncadd.s32 $0xFFFFD000  }
0x1a: {  	_ =	swait.ge [sflag:s22], $0x3000  }
0x1b: {  	[sflag:s22] =	ssyncset.done $0x0  }
0x1c: {  	s23 =	simm.s32 $0xD;
	[sflag:s22] =	ssyncadd.s32 $0xFFFFD000  }
0x1d: {  	_ =	swait.ge [sflag:s23], $0x3000  }
0x1e: {  	[sflag:s23] =	ssyncset.done $0x0  }
0x1f: {  	s24 =	simm.s32 $0xE;
	[sflag:s23] =	ssyncadd.s32 $0xFFFFD000  }
0x20: {  	_ =	swait.ge [sflag:s24], $0x3000  }
0x21: {  	[sflag:s24] =	ssyncset.done $0x0  }
0x22: {  	s25 =	simm.s32 $0xF;
	[sflag:s24] =	ssyncadd.s32 $0xFFFFD000  }
0x23: {  	_ =	swait.ge [sflag:s25], $0x3000  }
0x24: {  	[sflag:s25] =	ssyncset.done $0x0  }
0x25: {  	s28 =	simm.s32 $0x10;
	[sflag:s25] =	ssyncadd.s32 $0xFFFFD000  }
0x26: {  	_ =	swait.ge [sflag:s28], $0x3000  }
0x27: {  	s5 =	rddreg [dreg:$0x6]  }
0x28: {  	s23 =	rddreg [dreg:$0x5];
	s5 =	sadd.s32 $0x1, s5  }
0x29: {  	p0 =	sne.s32 s5, s23  }
.Ltmp1:
0x2a: {  	_ = 	snop;
	(pc) =	sbr.rel @!p0 .LBB2_5-.Ltmp1, $4  }
0x2b: {  	_ = 	snop  }
0x2c: {  	s29 =	simm.s32 $0x9880;
	s30 =	simm.s32 $0xA080  }
0x2d: {  	s31 =	simm.s32 $0xA880;
	s1 =	simm.s32 $0xB880;
	[sflag:s28] =	ssyncset.done $0x0  }
0x2e: {  	s10 =	simm.s32 $0xC080;
	s0 =	simm.s32 $0xB080;
	[sflag:s28] =	ssyncadd.s32 $0xFFFFD000  }
.LBB2_1:
0x2f: {  	[dreg:$0x6] =	wrdreg s5  }
0x30: {  	s23 =	rddreg [dreg:$0x4];
	s28 =	simm.s32 $0x11  }
0x31: {  	[tilespmem:s4], [sflag:$0x11] =	stream.linear.gather [hbm4b:s23+s4], $0x20, $0x38;
	[tilespmem:$0x18880] =	vst v63  }
0x32: {  	_ =	swait.ge [sflag:s28], $0x20  }
0x33: {  	[sflag:s28] =	ssyncset.done $0x0  }
0x34: {  	[sflag:s28] =	ssyncadd.s32 $0xFFFFFFE0  }
0x35: {  	v7 =	vld [tilespmem:$0x0];
	_ =	sdelay $0x4  }
0x36: {  	v7 =	vshll.u32 v7, $0x6  }
0x37: {  	[tilespmem:$0x80] =	vst v7  }
0x38: {  	v7 =	vld [tilespmem:$0x80];
	_ =	sdelay $0x4  }
0x39: {  	v8 =	vshrl.u32 v7, $0x3  }
0x3a: {  	v8 =	vmul.u32 $0x30, v8  }
0x3b: {  	v7 =	vand.u32 $0x7, v7  }
0x3c: {  	v7 =	vor.u32 v7, v8  }
0x3d: {  	v8 =	vperm.xlane v7, v4;
	_ =	sdelay $0x1  }
0x3e: {  	v8 =	vadd.s32 v5, v8;
	_ =	sdelay $0x3  }
0x3f: {  	s5 =	simm.s32 $0x880;
	[tilespmem:$0x480] =	vst v0;
	v7 =	vperm.xlane v7, v6  }
0x40: {  	[tilespmem:s5], [sflag:$0x1] =	stream.indirect_vreg.gather [hbm4b:s2+s4], $0x80, v8, vm0, $0xb8;
	[tilespmem:$0x18880] =	vst v63  }
0x41: {  	s11 =	simm.s32 $0x1080;
	v7 =	vadd.s32 v5, v7  }
0x42: {  	[tilespmem:s11], [sflag:$0x1] =	stream.indirect_vreg.gather [hbm4b:s6+s4], $0x80, v8, vm0, $0xb8;
	[tilespmem:$0x18880] =	vst v63  }
0x43: {  	s12 =	simm.s32 $0x1880  }
0x44: {  	[tilespmem:s12], [sflag:$0x1] =	stream.indirect_vreg.gather [hbm4b:s7+s4], $0x80, v8, vm0, $0xb8;
	[tilespmem:$0x18880] =	vst v63  }
0x45: {  	s19 =	simm.s32 $0x2080  }
0x46: {  	[tilespmem:s19], [sflag:$0x1] =	stream.indirect_vreg.gather [hbm4b:s2+s4], $0x80, v7, vm0, $0xb8;
	[tilespmem:$0x18880] =	vst v63  }
0x47: {  	s21 =	simm.s32 $0x2880  }
0x48: {  	[tilespmem:s21], [sflag:$0x1] =	stream.indirect_vreg.gather [hbm4b:s6+s4], $0x80, v7, vm0, $0xb8;
	[tilespmem:$0x18880] =	vst v63  }
0x49: {  	s22 =	simm.s32 $0x3080  }
0x4a: {  	[tilespmem:s22], [sflag:$0x1] =	stream.indirect_vreg.gather [hbm4b:s7+s4], $0x80, v7, vm0, $0xb8;
	[tilespmem:$0x18880] =	vst v63  }
0x4b: {  	v7 =	vld [tilespmem:$0x10];
	_ =	sdelay $0x4  }
0x4c: {  	v7 =	vshll.u32 v7, $0x6  }
0x4d: {  	[tilespmem:$0x100] =	vst v7  }
0x4e: {  	v7 =	vld [tilespmem:$0x100];
	_ =	sdelay $0x4  }
0x4f: {  	v8 =	vshrl.u32 v7, $0x3  }
0x50: {  	v8 =	vmul.u32 $0x30, v8  }
0x51: {  	v7 =	vand.u32 $0x7, v7  }
0x52: {  	v7 =	vor.u32 v7, v8  }
0x53: {  	v8 =	vperm.xlane v7, v4;
	_ =	sdelay $0x1  }
0x54: {  	v8 =	vadd.s32 v5, v8;
	_ =	sdelay $0x3  }
0x55: {  	s24 =	simm.s32 $0x3880;
	[tilespmem:$0x500] =	vst v1;
	v7 =	vperm.xlane v7, v6  }
0x56: {  	[tilespmem:s24], [sflag:$0x2] =	stream.indirect_vreg.gather [hbm4b:s2+s4], $0x80, v8, vm0, $0xb8;
	[tilespmem:$0x18880] =	vst v63  }
0x57: {  	s25 =	simm.s32 $0x4080;
	v7 =	vadd.s32 v5, v7  }
0x58: {  	[tilespmem:s25], [sflag:$0x2] =	stream.indirect_vreg.gather [hbm4b:s6+s4], $0x80, v8, vm0, $0xb8;
	[tilespmem:$0x18880] =	vst v63  }
0x59: {  	s28 =	simm.s32 $0x4880  }
0x5a: {  	[tilespmem:s28], [sflag:$0x2] =	stream.indirect_vreg.gather [hbm4b:s7+s4], $0x80, v8, vm0, $0xb8;
	[tilespmem:$0x18880] =	vst v63  }
0x5b: {  	s5 =	simm.s32 $0x5080  }
0x5c: {  	[tilespmem:s5], [sflag:$0x2] =	stream.indirect_vreg.gather [hbm4b:s2+s4], $0x80, v7, vm0, $0xb8;
	[tilespmem:$0x18880] =	vst v63  }
0x5d: {  	s11 =	simm.s32 $0x5880  }
0x5e: {  	[tilespmem:s11], [sflag:$0x2] =	stream.indirect_vreg.gather [hbm4b:s6+s4], $0x80, v7, vm0, $0xb8;
	[tilespmem:$0x18880] =	vst v63  }
0x5f: {  	s12 =	simm.s32 $0x6080  }
0x60: {  	[tilespmem:s12], [sflag:$0x2] =	stream.indirect_vreg.gather [hbm4b:s7+s4], $0x80, v7, vm0, $0xb8;
	[tilespmem:$0x18880] =	vst v63  }
0x61: {  	v7 =	vld [tilespmem:$0x0];
	_ =	sdelay $0x4  }
0x62: {  	v7 =	vshll.u32 v7, $0x6  }
0x63: {  	v7 =	vor.u32 $0x1, v7  }
0x64: {  	[tilespmem:$0x180] =	vst v7  }
0x65: {  	v7 =	vld [tilespmem:$0x180];
	_ =	sdelay $0x4  }
0x66: {  	v8 =	vshrl.u32 v7, $0x3  }
0x67: {  	v8 =	vmul.u32 $0x30, v8  }
0x68: {  	v7 =	vand.u32 $0x7, v7  }
0x69: {  	v7 =	vor.u32 v7, v8  }
0x6a: {  	v8 =	vperm.xlane v7, v4;
	_ =	sdelay $0x1  }
0x6b: {  	v8 =	vadd.s32 v5, v8;
	_ =	sdelay $0x3  }
0x6c: {  	s19 =	simm.s32 $0x6880;
	[tilespmem:$0x580] =	vst v2;
	v7 =	vperm.xlane v7, v6  }
0x6d: {  	[tilespmem:s19], [sflag:$0x3] =	stream.indirect_vreg.gather [hbm4b:s2+s4], $0x80, v8, vm0, $0xb8;
	[tilespmem:$0x18880] =	vst v63  }
0x6e: {  	s21 =	simm.s32 $0x7080;
	v7 =	vadd.s32 v5, v7  }
0x6f: {  	[tilespmem:s21], [sflag:$0x3] =	stream.indirect_vreg.gather [hbm4b:s6+s4], $0x80, v8, vm0, $0xb8;
	[tilespmem:$0x18880] =	vst v63  }
0x70: {  	s22 =	simm.s32 $0x7880  }
0x71: {  	[tilespmem:s22], [sflag:$0x3] =	stream.indirect_vreg.gather [hbm4b:s7+s4], $0x80, v8, vm0, $0xb8;
	[tilespmem:$0x18880] =	vst v63  }
0x72: {  	s24 =	simm.s32 $0x8080  }
0x73: {  	[tilespmem:s24], [sflag:$0x3] =	stream.indirect_vreg.gather [hbm4b:s2+s4], $0x80, v7, vm0, $0xb8;
	[tilespmem:$0x18880] =	vst v63  }
0x74: {  	s25 =	simm.s32 $0x8880  }
0x75: {  	[tilespmem:s25], [sflag:$0x3] =	stream.indirect_vreg.gather [hbm4b:s6+s4], $0x80, v7, vm0, $0xb8;
	[tilespmem:$0x18880] =	vst v63  }
0x76: {  	s28 =	simm.s32 $0x9080  }
0x77: {  	[tilespmem:s28], [sflag:$0x3] =	stream.indirect_vreg.gather [hbm4b:s7+s4], $0x80, v7, vm0, $0xb8;
	[tilespmem:$0x18880] =	vst v63  }
0x78: {  	v7 =	vld [tilespmem:$0x10];
	_ =	sdelay $0x4  }
0x79: {  	v7 =	vshll.u32 v7, $0x6  }
0x7a: {  	v7 =	vor.u32 $0x1, v7  }
0x7b: {  	[tilespmem:$0x200] =	vst v7  }
0x7c: {  	v7 =	vld [tilespmem:$0x200];
	_ =	sdelay $0x4  }
0x7d: {  	v8 =	vshrl.u32 v7, $0x3  }
0x7e: {  	v8 =	vmul.u32 $0x30, v8  }
0x7f: {  	v7 =	vand.u32 $0x7, v7  }
0x80: {  	v7 =	vor.u32 v7, v8  }
0x81: {  	v8 =	vperm.xlane v7, v4;
	_ =	sdelay $0x1  }
0x82: {  	v8 =	vadd.s32 v5, v8;
	_ =	sdelay $0x3  }
0x83: {  	[tilespmem:$0x600] =	vst v3;
	v7 =	vperm.xlane v7, v6  }
0x84: {  	[tilespmem:s29], [sflag:$0x4] =	stream.indirect_vreg.gather [hbm4b:s2+s4], $0x80, v8, vm0, $0xb8;
	[tilespmem:$0x18880] =	vst v63  }
0x85: {  	v7 =	vadd.s32 v5, v7  }
0x86: {  	[tilespmem:s30], [sflag:$0x4] =	stream.indirect_vreg.gather [hbm4b:s6+s4], $0x80, v8, vm0, $0xb8;
	[tilespmem:$0x18880] =	vst v63  }
0x87: {  	_ = 	snop  }
0x88: {  	[tilespmem:s31], [sflag:$0x4] =	stream.indirect_vreg.gather [hbm4b:s7+s4], $0x80, v8, vm0, $0xb8;
	[tilespmem:$0x18880] =	vst v63  }
0x89: {  	_ = 	snop  }
0x8a: {  	[tilespmem:s0], [sflag:$0x4] =	stream.indirect_vreg.gather [hbm4b:s2+s4], $0x80, v7, vm0, $0xb8;
	[tilespmem:$0x18880] =	vst v63  }
0x8b: {  	_ = 	snop  }
0x8c: {  	[tilespmem:s1], [sflag:$0x4] =	stream.indirect_vreg.gather [hbm4b:s6+s4], $0x80, v7, vm0, $0xb8;
	[tilespmem:$0x18880] =	vst v63  }
0x8d: {  	s5 =	simm.s32 $0xFFFFFFF8;
	s24 =	simm.s32 $0x5  }
0x8e: {  	[tilespmem:s10], [sflag:$0x4] =	stream.indirect_vreg.gather [hbm4b:s7+s4], $0x80, v7, vm0, $0xb8;
	[tilespmem:$0x18880] =	vst v63  }
.LBB2_2:
0x8f: {  	s11 =	simm.s32 $0x1  }
0x90: {  	_ =	swait.ge [sflag:s11], $0x3000  }
0x91: {  	[sflag:s11] =	ssyncset.done $0x0  }
0x92: {  	[sflag:s11] =	ssyncadd.s32 $0xFFFFD000  }
0x93: {  	v7 =	vld [tilespmem:$0x480];
	_ =	sdelay $0x4  }
0x94: {  	v8 =	vshrl.u32 v7, $0x3  }
0x95: {  	v8 =	vmul.u32 $0x30, v8  }
0x96: {  	v7 =	vand.u32 $0x7, v7  }
0x97: {  	v7 =	vor.u32 v7, v8  }
0x98: {  	v8 =	vperm.xlane v7, v4;
	_ =	sdelay $0x1  }
0x99: {  	v8 =	vadd.s32 v5, v8;
	_ =	sdelay $0x3  }
0x9a: {  	s25 =	simm.s32 $0x880;
	v7 =	vperm.xlane v7, v6  }
0x9b: {  	[hbm4b:s3+s4] =	stream.indirect_vreg.scatter [tilespmem:s25], [sflag:$0x9], $0x80, v8, vm0, $0xb8;
	[tilespmem:$0x18880] =	vst v63  }
0x9c: {  	s28 =	simm.s32 $0x1080;
	v7 =	vadd.s32 v5, v7  }
0x9d: {  	[hbm4b:s8+s4] =	stream.indirect_vreg.scatter [tilespmem:s28], [sflag:$0x9], $0x80, v8, vm0, $0xb8;
	[tilespmem:$0x18880] =	vst v63  }
0x9e: {  	s11 =	simm.s32 $0x1880  }
0x9f: {  	[hbm4b:s9+s4] =	stream.indirect_vreg.scatter [tilespmem:s11], [sflag:$0x9], $0x80, v8, vm0, $0xb8;
	[tilespmem:$0x18880] =	vst v63  }
0xa0: {  	s12 =	simm.s32 $0x2080  }
0xa1: {  	[hbm4b:s3+s4] =	stream.indirect_vreg.scatter [tilespmem:s12], [sflag:$0x9], $0x80, v7, vm0, $0xb8;
	[tilespmem:$0x18880] =	vst v63  }
0xa2: {  	s19 =	simm.s32 $0x2880;
	p0 =	sgt.u32 s5, $0x77  }
0xa3: {  	[hbm4b:s8+s4] =	stream.indirect_vreg.scatter [tilespmem:s19], [sflag:$0x9], $0x80, v7, vm0, $0xb8;
	[tilespmem:$0x18880] =	vst v63  }
0xa4: {  	s21 =	simm.s32 $0x3080;
	s25 =	simm.s32 @!p0 $0xD  }
0xa5: {  	[hbm4b:s9+s4] =	stream.indirect_vreg.scatter [tilespmem:s21], [sflag:$0x9], $0x80, v7, vm0, $0xb8;
	[tilespmem:$0x18880] =	vst v63  }
0xa6: {  	_ =	swait.ge @!p0 [sflag:s25], $0x3000  }
0xa7: {  	[sflag:s25] =	ssyncset.done @!p0 $0x0  }
0xa8: {  	[sflag:s25] =	ssyncadd.s32 @!p0 $0xFFFFD000  }
0xa9: {  	v7 =	vld [tilespmem:$0x0];
	_ =	sdelay $0x4  }
0xaa: {  	s25 =	sadd.s32 $0xFFFFFFFD, s24;
	v7 =	vshll.u32 v7, $0x6  }
0xab: {  	v7 =	vadd.s32 s25, v7  }
0xac: {  	[tilespmem:$0x280] =	vst v7  }
0xad: {  	v7 =	vld [tilespmem:$0x280];
	_ =	sdelay $0x4  }
0xae: {  	v8 =	vshrl.u32 v7, $0x3  }
0xaf: {  	v8 =	vmul.u32 $0x30, v8  }
0xb0: {  	v7 =	vand.u32 $0x7, v7  }
0xb1: {  	v7 =	vor.u32 v7, v8  }
0xb2: {  	v8 =	vperm.xlane v7, v4;
	_ =	sdelay $0x1  }
0xb3: {  	v8 =	vadd.s32 v5, v8;
	_ =	sdelay $0x2  }
0xb4: {  	v9 =	vor.u32 s25, v0  }
0xb5: {  	s11 =	simm.s32 $0xC880;
	[tilespmem:$0x680] =	vst v9;
	v7 =	vperm.xlane v7, v6  }
0xb6: {  	[tilespmem:s11], [sflag:$0x5] =	stream.indirect_vreg.gather [hbm4b:s2+s4], $0x80, v8, vm0, $0xb8;
	[tilespmem:$0x18880] =	vst v63  }
0xb7: {  	v7 =	vadd.s32 v5, v7  }
0xb8: {  	[tilespmem:s13], [sflag:$0x5] =	stream.indirect_vreg.gather [hbm4b:s6+s4], $0x80, v8, vm0, $0xb8;
	[tilespmem:$0x18880] =	vst v63  }
0xb9: {  	_ = 	snop  }
0xba: {  	[tilespmem:s14], [sflag:$0x5] =	stream.indirect_vreg.gather [hbm4b:s7+s4], $0x80, v8, vm0, $0xb8;
	[tilespmem:$0x18880] =	vst v63  }
0xbb: {  	_ = 	snop  }
0xbc: {  	[tilespmem:s15], [sflag:$0x5] =	stream.indirect_vreg.gather [hbm4b:s2+s4], $0x80, v7, vm0, $0xb8;
	[tilespmem:$0x18880] =	vst v63  }
0xbd: {  	_ = 	snop  }
0xbe: {  	[tilespmem:s16], [sflag:$0x5] =	stream.indirect_vreg.gather [hbm4b:s6+s4], $0x80, v7, vm0, $0xb8;
	[tilespmem:$0x18880] =	vst v63  }
0xbf: {  	s12 =	simm.s32 $0xF080;
	s19 =	simm.s32 $0x2  }
0xc0: {  	[tilespmem:s12], [sflag:$0x5] =	stream.indirect_vreg.gather [hbm4b:s7+s4], $0x80, v7, vm0, $0xb8;
	[tilespmem:$0x18880] =	vst v63  }
0xc1: {  	_ =	swait.ge [sflag:s19], $0x3000  }
0xc2: {  	[sflag:s19] =	ssyncset.done $0x0  }
0xc3: {  	[sflag:s19] =	ssyncadd.s32 $0xFFFFD000  }
0xc4: {  	v7 =	vld [tilespmem:$0x500];
	_ =	sdelay $0x4  }
0xc5: {  	v8 =	vshrl.u32 v7, $0x3  }
0xc6: {  	v8 =	vmul.u32 $0x30, v8  }
0xc7: {  	v7 =	vand.u32 $0x7, v7  }
0xc8: {  	v7 =	vor.u32 v7, v8  }
0xc9: {  	v8 =	vperm.xlane v7, v4;
	_ =	sdelay $0x1  }
0xca: {  	v8 =	vadd.s32 v5, v8;
	_ =	sdelay $0x3  }
0xcb: {  	s28 =	simm.s32 $0x3880;
	v7 =	vperm.xlane v7, v6  }
0xcc: {  	[hbm4b:s3+s4] =	stream.indirect_vreg.scatter [tilespmem:s28], [sflag:$0xA], $0x80, v8, vm0, $0xb8;
	[tilespmem:$0x18880] =	vst v63  }
0xcd: {  	s22 =	simm.s32 $0x4080;
	v7 =	vadd.s32 v5, v7  }
0xce: {  	[hbm4b:s8+s4] =	stream.indirect_vreg.scatter [tilespmem:s22], [sflag:$0xA], $0x80, v8, vm0, $0xb8;
	[tilespmem:$0x18880] =	vst v63  }
0xcf: {  	s23 =	simm.s32 $0x4880  }
0xd0: {  	[hbm4b:s9+s4] =	stream.indirect_vreg.scatter [tilespmem:s23], [sflag:$0xA], $0x80, v8, vm0, $0xb8;
	[tilespmem:$0x18880] =	vst v63  }
0xd1: {  	s21 =	smov.u32 s5;
	s5 =	simm.s32 $0x5080  }
0xd2: {  	[hbm4b:s3+s4] =	stream.indirect_vreg.scatter [tilespmem:s5], [sflag:$0xA], $0x80, v7, vm0, $0xb8;
	[tilespmem:$0x18880] =	vst v63  }
0xd3: {  	s19 =	simm.s32 $0x5880  }
0xd4: {  	[hbm4b:s8+s4] =	stream.indirect_vreg.scatter [tilespmem:s19], [sflag:$0xA], $0x80, v7, vm0, $0xb8;
	[tilespmem:$0x18880] =	vst v63  }
0xd5: {  	s28 =	simm.s32 @!p0 $0xE;
	s22 =	simm.s32 $0x6080  }
0xd6: {  	[hbm4b:s9+s4] =	stream.indirect_vreg.scatter [tilespmem:s22], [sflag:$0xA], $0x80, v7, vm0, $0xb8;
	[tilespmem:$0x18880] =	vst v63  }
0xd7: {  	_ =	swait.ge @!p0 [sflag:s28], $0x3000  }
0xd8: {  	[sflag:s28] =	ssyncset.done @!p0 $0x0  }
0xd9: {  	[sflag:s28] =	ssyncadd.s32 @!p0 $0xFFFFD000  }
0xda: {  	v7 =	vld [tilespmem:$0x10];
	_ =	sdelay $0x4  }
0xdb: {  	v8 =	vmov s25;
	v7 =	vshll.u32 v7, $0x6  }
0xdc: {  	v7 =	vadd.s32 v8, v7  }
0xdd: {  	[tilespmem:$0x300] =	vst v7  }
0xde: {  	v7 =	vld [tilespmem:$0x300];
	_ =	sdelay $0x4  }
0xdf: {  	v59 =	vshrl.u32 v7, $0x3  }
0xe0: {  	v9 =	vmul.u32 $0x30, v59  }
0xe1: {  	v7 =	vand.u32 $0x7, v7  }
0xe2: {  	v7 =	vor.u32 v7, v9  }
0xe3: {  	v9 =	vperm.xlane v7, v4;
	_ =	sdelay $0x1  }
0xe4: {  	v9 =	vadd.s32 v5, v9;
	_ =	sdelay $0x2  }
0xe5: {  	v8 =	vor.u32 v1, v8  }
0xe6: {  	s19 =	simm.s32 $0xF880;
	[tilespmem:$0x700] =	vst v8;
	v7 =	vperm.xlane v7, v6  }
0xe7: {  	[tilespmem:s19], [sflag:$0x6] =	stream.indirect_vreg.gather [hbm4b:s2+s4], $0x80, v9, vm0, $0xb8;
	[tilespmem:$0x18880] =	vst v63  }
0xe8: {  	v7 =	vadd.s32 v5, v7  }
0xe9: {  	[tilespmem:s26], [sflag:$0x6] =	stream.indirect_vreg.gather [hbm4b:s6+s4], $0x80, v9, vm0, $0xb8;
	[tilespmem:$0x18880] =	vst v63  }
0xea: {  	s5 =	simm.s32 $0x10880  }
0xeb: {  	[tilespmem:s5], [sflag:$0x6] =	stream.indirect_vreg.gather [hbm4b:s7+s4], $0x80, v9, vm0, $0xb8;
	[tilespmem:$0x18880] =	vst v63  }
0xec: {  	_ = 	snop  }
0xed: {  	[tilespmem:s17], [sflag:$0x6] =	stream.indirect_vreg.gather [hbm4b:s2+s4], $0x80, v7, vm0, $0xb8;
	[tilespmem:$0x18880] =	vst v63  }
0xee: {  	_ = 	snop  }
0xef: {  	[tilespmem:s18], [sflag:$0x6] =	stream.indirect_vreg.gather [hbm4b:s6+s4], $0x80, v7, vm0, $0xb8;
	[tilespmem:$0x18880] =	vst v63  }
0xf0: {  	s23 =	simm.s32 $0x3  }
0xf1: {  	[tilespmem:s20], [sflag:$0x6] =	stream.indirect_vreg.gather [hbm4b:s7+s4], $0x80, v7, vm0, $0xb8;
	[tilespmem:$0x18880] =	vst v63  }
0xf2: {  	_ =	swait.ge [sflag:s23], $0x3000  }
0xf3: {  	[sflag:s23] =	ssyncset.done $0x0  }
0xf4: {  	[sflag:s23] =	ssyncadd.s32 $0xFFFFD000  }
0xf5: {  	v7 =	vld [tilespmem:$0x580];
	_ =	sdelay $0x4  }
0xf6: {  	v8 =	vshrl.u32 v7, $0x3  }
0xf7: {  	v8 =	vmul.u32 $0x30, v8  }
0xf8: {  	v7 =	vand.u32 $0x7, v7  }
0xf9: {  	v7 =	vor.u32 v7, v8  }
0xfa: {  	v8 =	vperm.xlane v7, v4;
	_ =	sdelay $0x1  }
0xfb: {  	v8 =	vadd.s32 v5, v8;
	_ =	sdelay $0x3  }
0xfc: {  	s28 =	simm.s32 $0x6880;
	v7 =	vperm.xlane v7, v6  }
0xfd: {  	[hbm4b:s3+s4] =	stream.indirect_vreg.scatter [tilespmem:s28], [sflag:$0xB], $0x80, v8, vm0, $0xb8;
	[tilespmem:$0x18880] =	vst v63  }
0xfe: {  	s22 =	simm.s32 $0x7080;
	v7 =	vadd.s32 v5, v7  }
0xff: {  	[hbm4b:s8+s4] =	stream.indirect_vreg.scatter [tilespmem:s22], [sflag:$0xB], $0x80, v8, vm0, $0xb8;
	[tilespmem:$0x18880] =	vst v63  }
0x100: {  	s23 =	simm.s32 $0x7880  }
0x101: {  	[hbm4b:s9+s4] =	stream.indirect_vreg.scatter [tilespmem:s23], [sflag:$0xB], $0x80, v8, vm0, $0xb8;
	[tilespmem:$0x18880] =	vst v63  }
0x102: {  	s28 =	simm.s32 $0x8080  }
0x103: {  	[hbm4b:s3+s4] =	stream.indirect_vreg.scatter [tilespmem:s28], [sflag:$0xB], $0x80, v7, vm0, $0xb8;
	[tilespmem:$0x18880] =	vst v63  }
0x104: {  	s22 =	simm.s32 $0x8880  }
0x105: {  	[hbm4b:s8+s4] =	stream.indirect_vreg.scatter [tilespmem:s22], [sflag:$0xB], $0x80, v7, vm0, $0xb8;
	[tilespmem:$0x18880] =	vst v63  }
0x106: {  	s25 =	simm.s32 @!p0 $0xF;
	s23 =	simm.s32 $0x9080  }
0x107: {  	[hbm4b:s9+s4] =	stream.indirect_vreg.scatter [tilespmem:s23], [sflag:$0xB], $0x80, v7, vm0, $0xb8;
	[tilespmem:$0x18880] =	vst v63  }
0x108: {  	_ =	swait.ge @!p0 [sflag:s25], $0x3000  }
0x109: {  	[sflag:s25] =	ssyncset.done @!p0 $0x0  }
0x10a: {  	[sflag:s25] =	ssyncadd.s32 @!p0 $0xFFFFD000  }
0x10b: {  	v7 =	vld [tilespmem:$0x0];
	_ =	sdelay $0x4  }
0x10c: {  	s25 =	sadd.s32 $0xFFFFFFFE, s24;
	v7 =	vshll.u32 v7, $0x6  }
0x10d: {  	v7 =	vadd.s32 s25, v7  }
0x10e: {  	[tilespmem:$0x380] =	vst v7  }
0x10f: {  	v7 =	vld [tilespmem:$0x380];
	_ =	sdelay $0x4  }
0x110: {  	v8 =	vshrl.u32 v7, $0x3  }
0x111: {  	v8 =	vmul.u32 $0x30, v8  }
0x112: {  	v7 =	vand.u32 $0x7, v7  }
0x113: {  	v7 =	vor.u32 v7, v8  }
0x114: {  	v8 =	vperm.xlane v7, v4;
	_ =	sdelay $0x1  }
0x115: {  	v8 =	vadd.s32 v5, v8;
	_ =	sdelay $0x2  }
0x116: {  	v60 =	vor.u32 s25, v0  }
0x117: {  	s22 =	simm.s32 $0x12880;
	[tilespmem:$0x780] =	vst v60;
	v7 =	vperm.xlane v7, v6  }
0x118: {  	[tilespmem:s22], [sflag:$0x7] =	stream.indirect_vreg.gather [hbm4b:s2+s4], $0x80, v8, vm0, $0xb8;
	[tilespmem:$0x18880] =	vst v63  }
0x119: {  	v7 =	vadd.s32 v5, v7;
	s22 =	simm.s32 $0x13080  }
0x11a: {  	[tilespmem:s22], [sflag:$0x7] =	stream.indirect_vreg.gather [hbm4b:s6+s4], $0x80, v8, vm0, $0xb8;
	[tilespmem:$0x18880] =	vst v63  }
0x11b: {  	s23 =	simm.s32 $0x13880  }
0x11c: {  	[tilespmem:s23], [sflag:$0x7] =	stream.indirect_vreg.gather [hbm4b:s7+s4], $0x80, v8, vm0, $0xb8;
	[tilespmem:$0x18880] =	vst v63  }
0x11d: {  	s28 =	simm.s32 $0x14080  }
0x11e: {  	[tilespmem:s28], [sflag:$0x7] =	stream.indirect_vreg.gather [hbm4b:s2+s4], $0x80, v7, vm0, $0xb8;
	[tilespmem:$0x18880] =	vst v63  }
0x11f: {  	s28 =	simm.s32 $0x14880  }
0x120: {  	[tilespmem:s28], [sflag:$0x7] =	stream.indirect_vreg.gather [hbm4b:s6+s4], $0x80, v7, vm0, $0xb8;
	[tilespmem:$0x18880] =	vst v63  }
0x121: {  	s28 =	simm.s32 $0x15080  }
0x122: {  	[tilespmem:s28], [sflag:$0x7] =	stream.indirect_vreg.gather [hbm4b:s7+s4], $0x80, v7, vm0, $0xb8;
	[tilespmem:$0x18880] =	vst v63  }
0x123: {  	s28 =	simm.s32 $0x4  }
0x124: {  	_ =	swait.ge [sflag:s28], $0x3000  }
0x125: {  	[sflag:s28] =	ssyncset.done $0x0  }
0x126: {  	[sflag:s28] =	ssyncadd.s32 $0xFFFFD000  }
0x127: {  	v7 =	vld [tilespmem:$0x600];
	_ =	sdelay $0x4  }
0x128: {  	v8 =	vshrl.u32 v7, $0x3  }
0x129: {  	v8 =	vmul.u32 $0x30, v8  }
0x12a: {  	v7 =	vand.u32 $0x7, v7  }
0x12b: {  	v7 =	vor.u32 v7, v8  }
0x12c: {  	v8 =	vperm.xlane v7, v4;
	_ =	sdelay $0x1  }
0x12d: {  	v8 =	vadd.s32 v5, v8;
	_ =	sdelay $0x3  }
0x12e: {  	v7 =	vperm.xlane v7, v6  }
0x12f: {  	[hbm4b:s3+s4] =	stream.indirect_vreg.scatter [tilespmem:s29], [sflag:$0xC], $0x80, v8, vm0, $0xb8;
	[tilespmem:$0x18880] =	vst v63  }
0x130: {  	v7 =	vadd.s32 v5, v7  }
0x131: {  	[hbm4b:s8+s4] =	stream.indirect_vreg.scatter [tilespmem:s30], [sflag:$0xC], $0x80, v8, vm0, $0xb8;
	[tilespmem:$0x18880] =	vst v63  }
0x132: {  	_ = 	snop  }
0x133: {  	[hbm4b:s9+s4] =	stream.indirect_vreg.scatter [tilespmem:s31], [sflag:$0xC], $0x80, v8, vm0, $0xb8;
	[tilespmem:$0x18880] =	vst v63  }
0x134: {  	_ = 	snop  }
0x135: {  	[hbm4b:s3+s4] =	stream.indirect_vreg.scatter [tilespmem:s0], [sflag:$0xC], $0x80, v7, vm0, $0xb8;
	[tilespmem:$0x18880] =	vst v63  }
0x136: {  	p0 =	seq.s32 s24, $0x5  }
0x137: {  	[hbm4b:s8+s4] =	stream.indirect_vreg.scatter [tilespmem:s1], [sflag:$0xC], $0x80, v7, vm0, $0xb8;
	[tilespmem:$0x18880] =	vst v63  }
0x138: {  	s28 =	simm.s32 @!p0 $0x10  }
0x139: {  	[hbm4b:s9+s4] =	stream.indirect_vreg.scatter [tilespmem:s10], [sflag:$0xC], $0x80, v7, vm0, $0xb8;
	[tilespmem:$0x18880] =	vst v63  }
0x13a: {  	_ =	swait.ge @!p0 [sflag:s28], $0x3000  }
0x13b: {  	[sflag:s28] =	ssyncset.done @!p0 $0x0  }
0x13c: {  	[sflag:s28] =	ssyncadd.s32 @!p0 $0xFFFFD000  }
0x13d: {  	v7 =	vld [tilespmem:$0x10];
	_ =	sdelay $0x4  }
0x13e: {  	v8 =	vmov s25;
	v7 =	vshll.u32 v7, $0x6  }
0x13f: {  	v7 =	vadd.s32 v8, v7  }
0x140: {  	[tilespmem:$0x400] =	vst v7  }
0x141: {  	v7 =	vld [tilespmem:$0x400];
	_ =	sdelay $0x4  }
0x142: {  	v61 =	vshrl.u32 v7, $0x3  }
0x143: {  	v9 =	vmul.u32 $0x30, v61  }
0x144: {  	v7 =	vand.u32 $0x7, v7  }
0x145: {  	v7 =	vor.u32 v7, v9  }
0x146: {  	v9 =	vperm.xlane v7, v4;
	_ =	sdelay $0x1  }
0x147: {  	v9 =	vadd.s32 v5, v9;
	_ =	sdelay $0x2  }
0x148: {  	v8 =	vor.u32 v1, v8  }
0x149: {  	s25 =	simm.s32 $0x15880;
	[tilespmem:$0x800] =	vst v8;
	v7 =	vperm.xlane v7, v6  }
0x14a: {  	[tilespmem:s25], [sflag:$0x8] =	stream.indirect_vreg.gather [hbm4b:s2+s4], $0x80, v9, vm0, $0xb8;
	[tilespmem:$0x18880] =	vst v63  }
0x14b: {  	s28 =	simm.s32 $0x16080;
	v7 =	vadd.s32 v5, v7  }
0x14c: {  	[tilespmem:s28], [sflag:$0x8] =	stream.indirect_vreg.gather [hbm4b:s6+s4], $0x80, v9, vm0, $0xb8;
	[tilespmem:$0x18880] =	vst v63  }
0x14d: {  	s29 =	simm.s32 $0x16880  }
0x14e: {  	[tilespmem:s29], [sflag:$0x8] =	stream.indirect_vreg.gather [hbm4b:s7+s4], $0x80, v9, vm0, $0xb8;
	[tilespmem:$0x18880] =	vst v63  }
0x14f: {  	s1 =	simm.s32 $0x17080  }
0x150: {  	[tilespmem:s1], [sflag:$0x8] =	stream.indirect_vreg.gather [hbm4b:s2+s4], $0x80, v7, vm0, $0xb8;
	[tilespmem:$0x18880] =	vst v63  }
0x151: {  	s10 =	simm.s32 $0x17880  }
0x152: {  	[tilespmem:s10], [sflag:$0x8] =	stream.indirect_vreg.gather [hbm4b:s6+s4], $0x80, v7, vm0, $0xb8;
	[tilespmem:$0x18880] =	vst v63  }
0x153: {  	s25 =	simm.s32 $0x18080;
	s28 =	simm.s32 $0x5  }
0x154: {  	[tilespmem:s25], [sflag:$0x8] =	stream.indirect_vreg.gather [hbm4b:s7+s4], $0x80, v7, vm0, $0xb8;
	[tilespmem:$0x18880] =	vst v63  }
0x155: {  	_ =	swait.ge [sflag:s28], $0x3000  }
0x156: {  	[sflag:s28] =	ssyncset.done $0x0  }
0x157: {  	[sflag:s28] =	ssyncadd.s32 $0xFFFFD000  }
0x158: {  	v7 =	vld [tilespmem:$0x680];
	_ =	sdelay $0x4  }
0x159: {  	v8 =	vshrl.u32 v7, $0x3  }
0x15a: {  	v8 =	vmul.u32 $0x30, v8  }
0x15b: {  	v7 =	vand.u32 $0x7, v7  }
0x15c: {  	v7 =	vor.u32 v7, v8  }
0x15d: {  	v8 =	vperm.xlane v7, v4;
	_ =	sdelay $0x1  }
0x15e: {  	v8 =	vadd.s32 v5, v8;
	_ =	sdelay $0x3  }
0x15f: {  	v7 =	vperm.xlane v7, v6  }
0x160: {  	[hbm4b:s3+s4] =	stream.indirect_vreg.scatter [tilespmem:s11], [sflag:$0xD], $0x80, v8, vm0, $0xb8;
	[tilespmem:$0x18880] =	vst v63  }
0x161: {  	v7 =	vadd.s32 v5, v7  }
0x162: {  	[hbm4b:s8+s4] =	stream.indirect_vreg.scatter [tilespmem:s13], [sflag:$0xD], $0x80, v8, vm0, $0xb8;
	[tilespmem:$0x18880] =	vst v63  }
0x163: {  	_ = 	snop  }
0x164: {  	[hbm4b:s9+s4] =	stream.indirect_vreg.scatter [tilespmem:s14], [sflag:$0xD], $0x80, v8, vm0, $0xb8;
	[tilespmem:$0x18880] =	vst v63  }
0x165: {  	_ = 	snop  }
0x166: {  	[hbm4b:s3+s4] =	stream.indirect_vreg.scatter [tilespmem:s15], [sflag:$0xD], $0x80, v7, vm0, $0xb8;
	[tilespmem:$0x18880] =	vst v63  }
0x167: {  	p0 =	seq.s32 s24, $0x41  }
0x168: {  	[hbm4b:s8+s4] =	stream.indirect_vreg.scatter [tilespmem:s16], [sflag:$0xD], $0x80, v7, vm0, $0xb8;
	[tilespmem:$0x18880] =	vst v63  }
0x169: {  	s25 =	simm.s32 @!p0 $0x9  }
0x16a: {  	[hbm4b:s9+s4] =	stream.indirect_vreg.scatter [tilespmem:s12], [sflag:$0xD], $0x80, v7, vm0, $0xb8;
	[tilespmem:$0x18880] =	vst v63  }
0x16b: {  	_ =	swait.ge @!p0 [sflag:s25], $0x3000  }
0x16c: {  	[sflag:s25] =	ssyncset.done @!p0 $0x0  }
0x16d: {  	[sflag:s25] =	ssyncadd.s32 @!p0 $0xFFFFD000  }
0x16e: {  	v7 =	vld @!p0 [tilespmem:$0x0];
	_ =	sdelay $0x4  }
0x16f: {  	s28 =	sadd.s32 @!p0 $0xFFFFFFFF, s24;
	v7 =	vshll.u32 @!p0 v7, $0x6  }
0x170: {  	v7 =	vadd.s32 @!p0 s28, v7  }
0x171: {  	[tilespmem:$0x80] =	vst @!p0 v7  }
0x172: {  	v7 =	vld @!p0 [tilespmem:$0x80];
	_ =	sdelay $0x4  }
0x173: {  	v8 =	vshrl.u32 @!p0 v7, $0x3  }
0x174: {  	v8 =	vmul.u32 @!p0 $0x30, v8  }
0x175: {  	v9 =	vlaneseq.u32 @!p0;
	v7 =	vand.u32 @!p0 $0x7, v7  }
0x176: {  	v10 =	vshrl.u32 @!p0 v9, $0x3;
	v7 =	vor.u32 @!p0 v7, v8;
	v8 =	vand.u32 @!p0 $0x7, v9  }
0x177: {  	v10 =	vmul.u32 @!p0 $0x8, v10;
	v11 =	vperm.xlane @!p0 v7, v8;
	_ =	sdelay $0x1  }
0x178: {  	v11 =	vadd.s32 @!p0 v10, v11;
	_ =	sdelay $0x2  }
0x179: {  	v12 =	vadd.s32 @!p0 s28, v0;
	v9 =	vor.u32 @!p0 $0x8, v9  }
0x17a: {  	vm1 =	vmmov @!p0 $0xffff;
	s29 =	simm.s32 @!p0 $0x880;
	s25 =	simm.s32 @!p0 $0x0;
	[tilespmem:$0x480] =	vst @!p0 v12;
	v7 =	vperm.xlane @!p0 v7, v9  }
0x17b: {  	[tilespmem:s29], [sflag:$0x1] =	stream.indirect_vreg.gather @!p0 [hbm4b:s2+s25], $0x80, v11, vm1, $0xb8;
	[tilespmem:$0x18880] =	vst v63  }
0x17c: {  	v7 =	vadd.s32 @!p0 v10, v7;
	s29 =	simm.s32 @!p0 $0x1080  }
0x17d: {  	[tilespmem:s29], [sflag:$0x1] =	stream.indirect_vreg.gather @!p0 [hbm4b:s6+s25], $0x80, v11, vm1, $0xb8;
	[tilespmem:$0x18880] =	vst v63  }
0x17e: {  	s29 =	simm.s32 @!p0 $0x1880  }
0x17f: {  	[tilespmem:s29], [sflag:$0x1] =	stream.indirect_vreg.gather @!p0 [hbm4b:s7+s25], $0x80, v11, vm1, $0xb8;
	[tilespmem:$0x18880] =	vst v63  }
0x180: {  	s29 =	simm.s32 @!p0 $0x2080  }
0x181: {  	[tilespmem:s29], [sflag:$0x1] =	stream.indirect_vreg.gather @!p0 [hbm4b:s2+s25], $0x80, v7, vm1, $0xb8;
	[tilespmem:$0x18880] =	vst v63  }
0x182: {  	s29 =	simm.s32 @!p0 $0x2880  }
0x183: {  	[tilespmem:s29], [sflag:$0x1] =	stream.indirect_vreg.gather @!p0 [hbm4b:s6+s25], $0x80, v7, vm1, $0xb8;
	[tilespmem:$0x18880] =	vst v63  }
0x184: {  	s29 =	simm.s32 @!p0 $0x3080  }
0x185: {  	[tilespmem:s29], [sflag:$0x1] =	stream.indirect_vreg.gather @!p0 [hbm4b:s7+s25], $0x80, v7, vm1, $0xb8;
	[tilespmem:$0x18880] =	vst v63  }
0x186: {  	s29 =	simm.s32 $0x6  }
0x187: {  	_ =	swait.ge [sflag:s29], $0x3000  }
0x188: {  	[sflag:s29] =	ssyncset.done $0x0  }
0x189: {  	[sflag:s29] =	ssyncadd.s32 $0xFFFFD000  }
0x18a: {  	v7 =	vld [tilespmem:$0x700];
	_ =	sdelay $0x4  }
0x18b: {  	v62 =	vshrl.u32 v7, $0x3  }
0x18c: {  	v11 =	vmul.u32 $0x30, v62  }
0x18d: {  	v7 =	vand.u32 $0x7, v7  }
0x18e: {  	v7 =	vor.u32 v7, v11  }
0x18f: {  	v11 =	vperm.xlane v7, v4;
	_ =	sdelay $0x1  }
0x190: {  	v11 =	vadd.s32 v5, v11;
	_ =	sdelay $0x3  }
0x191: {  	v7 =	vperm.xlane v7, v6  }
0x192: {  	[hbm4b:s3+s4] =	stream.indirect_vreg.scatter [tilespmem:s19], [sflag:$0xE], $0x80, v11, vm0, $0xb8;
	[tilespmem:$0x18880] =	vst v63  }
0x193: {  	v7 =	vadd.s32 v5, v7  }
0x194: {  	[hbm4b:s8+s4] =	stream.indirect_vreg.scatter [tilespmem:s26], [sflag:$0xE], $0x80, v11, vm0, $0xb8;
	[tilespmem:$0x18880] =	vst v63  }
0x195: {  	_ = 	snop  }
0x196: {  	[hbm4b:s9+s4] =	stream.indirect_vreg.scatter [tilespmem:s5], [sflag:$0xE], $0x80, v11, vm0, $0xb8;
	[tilespmem:$0x18880] =	vst v63  }
0x197: {  	_ = 	snop  }
0x198: {  	[hbm4b:s3+s4] =	stream.indirect_vreg.scatter [tilespmem:s17], [sflag:$0xE], $0x80, v7, vm0, $0xb8;
	[tilespmem:$0x18880] =	vst v63  }
0x199: {  	_ = 	snop  }
0x19a: {  	[hbm4b:s8+s4] =	stream.indirect_vreg.scatter [tilespmem:s18], [sflag:$0xE], $0x80, v7, vm0, $0xb8;
	[tilespmem:$0x18880] =	vst v63  }
0x19b: {  	s29 =	simm.s32 @!p0 $0xA  }
0x19c: {  	[hbm4b:s9+s4] =	stream.indirect_vreg.scatter [tilespmem:s20], [sflag:$0xE], $0x80, v7, vm0, $0xb8;
	[tilespmem:$0x18880] =	vst v63  }
0x19d: {  	_ =	swait.ge @!p0 [sflag:s29], $0x3000  }
0x19e: {  	[sflag:s29] =	ssyncset.done @!p0 $0x0  }
0x19f: {  	[sflag:s29] =	ssyncadd.s32 @!p0 $0xFFFFD000  }
0x1a0: {  	v7 =	vld @!p0 [tilespmem:$0x10];
	_ =	sdelay $0x4  }
0x1a1: {  	v7 =	vshll.u32 @!p0 v7, $0x6  }
0x1a2: {  	v7 =	vadd.s32 @!p0 s28, v7  }
0x1a3: {  	[tilespmem:$0x100] =	vst @!p0 v7  }
0x1a4: {  	v7 =	vld @!p0 [tilespmem:$0x100];
	_ =	sdelay $0x4  }
0x1a5: {  	v11 =	vshrl.u32 @!p0 v7, $0x3  }
0x1a6: {  	v11 =	vmul.u32 @!p0 $0x30, v11  }
0x1a7: {  	v7 =	vand.u32 @!p0 $0x7, v7  }
0x1a8: {  	v7 =	vor.u32 @!p0 v7, v11  }
0x1a9: {  	v11 =	vperm.xlane @!p0 v7, v8;
	_ =	sdelay $0x1  }
0x1aa: {  	v11 =	vadd.s32 @!p0 v10, v11;
	_ =	sdelay $0x2  }
0x1ab: {  	v12 =	vadd.s32 @!p0 s28, v1  }
0x1ac: {  	[tilespmem:$0x500] =	vst @!p0 v12;
	s28 =	simm.s32 @!p0 $0x3880;
	v7 =	vperm.xlane @!p0 v7, v9  }
0x1ad: {  	[tilespmem:s28], [sflag:$0x2] =	stream.indirect_vreg.gather @!p0 [hbm4b:s2+s25], $0x80, v11, vm1, $0xb8;
	[tilespmem:$0x18880] =	vst v63  }
0x1ae: {  	v7 =	vadd.s32 @!p0 v10, v7;
	s28 =	simm.s32 @!p0 $0x4080  }
0x1af: {  	[tilespmem:s28], [sflag:$0x2] =	stream.indirect_vreg.gather @!p0 [hbm4b:s6+s25], $0x80, v11, vm1, $0xb8;
	[tilespmem:$0x18880] =	vst v63  }
0x1b0: {  	s28 =	simm.s32 @!p0 $0x4880  }
0x1b1: {  	[tilespmem:s28], [sflag:$0x2] =	stream.indirect_vreg.gather @!p0 [hbm4b:s7+s25], $0x80, v11, vm1, $0xb8;
	[tilespmem:$0x18880] =	vst v63  }
0x1b2: {  	s28 =	simm.s32 @!p0 $0x5080  }
0x1b3: {  	[tilespmem:s28], [sflag:$0x2] =	stream.indirect_vreg.gather @!p0 [hbm4b:s2+s25], $0x80, v7, vm1, $0xb8;
	[tilespmem:$0x18880] =	vst v63  }
0x1b4: {  	s28 =	simm.s32 @!p0 $0x5880  }
0x1b5: {  	[tilespmem:s28], [sflag:$0x2] =	stream.indirect_vreg.gather @!p0 [hbm4b:s6+s25], $0x80, v7, vm1, $0xb8;
	[tilespmem:$0x18880] =	vst v63  }
0x1b6: {  	s12 =	simm.s32 $0x7;
	s28 =	simm.s32 @!p0 $0x6080  }
0x1b7: {  	[tilespmem:s28], [sflag:$0x2] =	stream.indirect_vreg.gather @!p0 [hbm4b:s7+s25], $0x80, v7, vm1, $0xb8;
	[tilespmem:$0x18880] =	vst v63  }
0x1b8: {  	_ =	swait.ge [sflag:s12], $0x3000  }
0x1b9: {  	[sflag:s12] =	ssyncset.done $0x0  }
0x1ba: {  	[sflag:s12] =	ssyncadd.s32 $0xFFFFD000  }
0x1bb: {  	v7 =	vld [tilespmem:$0x780];
	_ =	sdelay $0x4  }
0x1bc: {  	v63 =	vshrl.u32 v7, $0x3  }
0x1bd: {  	v11 =	vmul.u32 $0x30, v63  }
0x1be: {  	v7 =	vand.u32 $0x7, v7  }
0x1bf: {  	v7 =	vor.u32 v7, v11  }
0x1c0: {  	v11 =	vperm.xlane v7, v4;
	_ =	sdelay $0x1  }
0x1c1: {  	v11 =	vadd.s32 v5, v11;
	_ =	sdelay $0x3  }
0x1c2: {  	s19 =	simm.s32 $0x12880;
	v7 =	vperm.xlane v7, v6  }
0x1c3: {  	[hbm4b:s3+s4] =	stream.indirect_vreg.scatter [tilespmem:s19], [sflag:$0xF], $0x80, v11, vm0, $0xb8;
	[tilespmem:$0x18880] =	vst v63  }
0x1c4: {  	v7 =	vadd.s32 v5, v7  }
0x1c5: {  	[hbm4b:s8+s4] =	stream.indirect_vreg.scatter [tilespmem:s22], [sflag:$0xF], $0x80, v11, vm0, $0xb8;
	[tilespmem:$0x18880] =	vst v63  }
0x1c6: {  	_ = 	snop  }
0x1c7: {  	[hbm4b:s9+s4] =	stream.indirect_vreg.scatter [tilespmem:s23], [sflag:$0xF], $0x80, v11, vm0, $0xb8;
	[tilespmem:$0x18880] =	vst v63  }
0x1c8: {  	s23 =	simm.s32 $0x14080  }
0x1c9: {  	[hbm4b:s3+s4] =	stream.indirect_vreg.scatter [tilespmem:s23], [sflag:$0xF], $0x80, v7, vm0, $0xb8;
	[tilespmem:$0x18880] =	vst v63  }
0x1ca: {  	s28 =	simm.s32 $0x14880  }
0x1cb: {  	[hbm4b:s8+s4] =	stream.indirect_vreg.scatter [tilespmem:s28], [sflag:$0xF], $0x80, v7, vm0, $0xb8;
	[tilespmem:$0x18880] =	vst v63  }
0x1cc: {  	s29 =	simm.s32 $0x15080;
	s28 =	simm.s32 @!p0 $0xB  }
0x1cd: {  	[hbm4b:s9+s4] =	stream.indirect_vreg.scatter [tilespmem:s29], [sflag:$0xF], $0x80, v7, vm0, $0xb8;
	[tilespmem:$0x18880] =	vst v63  }
0x1ce: {  	_ =	swait.ge @!p0 [sflag:s28], $0x3000  }
0x1cf: {  	[sflag:s28] =	ssyncset.done @!p0 $0x0  }
0x1d0: {  	[sflag:s28] =	ssyncadd.s32 @!p0 $0xFFFFD000  }
0x1d1: {  	v7 =	vld @!p0 [tilespmem:$0x0];
	_ =	sdelay $0x4  }
0x1d2: {  	v7 =	vshll.u32 @!p0 v7, $0x6  }
0x1d3: {  	v7 =	vadd.s32 @!p0 s24, v7  }
0x1d4: {  	[tilespmem:$0x180] =	vst @!p0 v7  }
0x1d5: {  	v7 =	vld @!p0 [tilespmem:$0x180];
	_ =	sdelay $0x4  }
0x1d6: {  	v11 =	vshrl.u32 @!p0 v7, $0x3  }
0x1d7: {  	v11 =	vmul.u32 @!p0 $0x30, v11  }
0x1d8: {  	v7 =	vand.u32 @!p0 $0x7, v7  }
0x1d9: {  	v7 =	vor.u32 @!p0 v7, v11  }
0x1da: {  	v8 =	vperm.xlane @!p0 v7, v8;
	_ =	sdelay $0x1  }
0x1db: {  	v8 =	vadd.s32 @!p0 v10, v8;
	_ =	sdelay $0x2  }
0x1dc: {  	v11 =	vadd.s32 @!p0 s24, v0  }
0x1dd: {  	s28 =	simm.s32 @!p0 $0x6880;
	[tilespmem:$0x580] =	vst @!p0 v11;
	v7 =	vperm.xlane @!p0 v7, v9  }
0x1de: {  	[tilespmem:s28], [sflag:$0x3] =	stream.indirect_vreg.gather @!p0 [hbm4b:s2+s25], $0x80, v8, vm1, $0xb8;
	[tilespmem:$0x18880] =	vst v63  }
0x1df: {  	v7 =	vadd.s32 @!p0 v10, v7;
	s28 =	simm.s32 @!p0 $0x7080  }
0x1e0: {  	[tilespmem:s28], [sflag:$0x3] =	stream.indirect_vreg.gather @!p0 [hbm4b:s6+s25], $0x80, v8, vm1, $0xb8;
	[tilespmem:$0x18880] =	vst v63  }
0x1e1: {  	s28 =	simm.s32 @!p0 $0x7880  }
0x1e2: {  	[tilespmem:s28], [sflag:$0x3] =	stream.indirect_vreg.gather @!p0 [hbm4b:s7+s25], $0x80, v8, vm1, $0xb8;
	[tilespmem:$0x18880] =	vst v63  }
0x1e3: {  	s28 =	simm.s32 @!p0 $0x8080  }
0x1e4: {  	[tilespmem:s28], [sflag:$0x3] =	stream.indirect_vreg.gather @!p0 [hbm4b:s2+s25], $0x80, v7, vm1, $0xb8;
	[tilespmem:$0x18880] =	vst v63  }
0x1e5: {  	s28 =	simm.s32 @!p0 $0x8880  }
0x1e6: {  	[tilespmem:s28], [sflag:$0x3] =	stream.indirect_vreg.gather @!p0 [hbm4b:s6+s25], $0x80, v7, vm1, $0xb8;
	[tilespmem:$0x18880] =	vst v63  }
0x1e7: {  	s12 =	simm.s32 $0x8;
	s28 =	simm.s32 @!p0 $0x9080  }
0x1e8: {  	[tilespmem:s28], [sflag:$0x3] =	stream.indirect_vreg.gather @!p0 [hbm4b:s7+s25], $0x80, v7, vm1, $0xb8;
	[tilespmem:$0x18880] =	vst v63  }
0x1e9: {  	_ =	swait.ge [sflag:s12], $0x3000  }
0x1ea: {  	[sflag:s12] =	ssyncset.done $0x0  }
0x1eb: {  	[sflag:s12] =	ssyncadd.s32 $0xFFFFD000  }
0x1ec: {  	v7 =	vld [tilespmem:$0x800];
	_ =	sdelay $0x4  }
0x1ed: {  	v8 =	vshrl.u32 v7, $0x3  }
0x1ee: {  	v8 =	vmul.u32 $0x30, v8  }
0x1ef: {  	v7 =	vand.u32 $0x7, v7  }
0x1f0: {  	v7 =	vor.u32 v7, v8  }
0x1f1: {  	v8 =	vperm.xlane v7, v4;
	_ =	sdelay $0x1  }
0x1f2: {  	v8 =	vadd.s32 v5, v8;
	_ =	sdelay $0x3  }
0x1f3: {  	s19 =	simm.s32 $0x15880;
	v7 =	vperm.xlane v7, v6  }
0x1f4: {  	[hbm4b:s3+s4] =	stream.indirect_vreg.scatter [tilespmem:s19], [sflag:$0x10], $0x80, v8, vm0, $0xb8;
	[tilespmem:$0x18880] =	vst v63  }
0x1f5: {  	s22 =	simm.s32 $0x16080;
	v7 =	vadd.s32 v5, v7  }
0x1f6: {  	[hbm4b:s8+s4] =	stream.indirect_vreg.scatter [tilespmem:s22], [sflag:$0x10], $0x80, v8, vm0, $0xb8;
	[tilespmem:$0x18880] =	vst v63  }
0x1f7: {  	s23 =	simm.s32 $0x16880  }
0x1f8: {  	[hbm4b:s9+s4] =	stream.indirect_vreg.scatter [tilespmem:s23], [sflag:$0x10], $0x80, v8, vm0, $0xb8;
	[tilespmem:$0x18880] =	vst v63  }
0x1f9: {  	s25 =	simm.s32 $0x17080  }
0x1fa: {  	[hbm4b:s3+s4] =	stream.indirect_vreg.scatter [tilespmem:s25], [sflag:$0x10], $0x80, v7, vm0, $0xb8;
	[tilespmem:$0x18880] =	vst v63  }
.Ltmp2:
0x1fb: {  	s30 =	simm.s32 $0x9880;
	s31 =	simm.s32 $0xA080;
	(pc) =	sbr.rel @p0 .LBB2_4-.Ltmp2, $4  }
0x1fc: {  	s0 =	simm.s32 $0xA880;
	s1 =	simm.s32 $0xB080;
	s28 =	simm.s32 $0x17880  }
0x1fd: {  	[hbm4b:s8+s4] =	stream.indirect_vreg.scatter [tilespmem:s28], [sflag:$0x10], $0x80, v7, vm0, $0xb8;
	[tilespmem:$0x18880] =	vst v63  }
0x1fe: {  	s10 =	simm.s32 $0xB880;
	s11 =	simm.s32 $0xC080;
	s29 =	simm.s32 $0x18080  }
0x1ff: {  	[hbm4b:s9+s4] =	stream.indirect_vreg.scatter [tilespmem:s29], [sflag:$0x10], $0x80, v7, vm0, $0xb8;
	[tilespmem:$0x18880] =	vst v63  }
0x200: {  	s5 =	simm.s32 $0xC  }
0x201: {  	_ =	swait.ge [sflag:s5], $0x3000  }
0x202: {  	[sflag:s5] =	ssyncset.done $0x0  }
0x203: {  	[sflag:s5] =	ssyncadd.s32 $0xFFFFD000  }
0x204: {  	v7 =	vld [tilespmem:$0x10];
	_ =	sdelay $0x4  }
0x205: {  	v7 =	vshll.u32 v7, $0x6  }
0x206: {  	v7 =	vadd.s32 s24, v7  }
0x207: {  	[tilespmem:$0x200] =	vst v7  }
0x208: {  	v7 =	vld [tilespmem:$0x200];
	_ =	sdelay $0x4  }
0x209: {  	v8 =	vshrl.u32 v7, $0x3  }
0x20a: {  	v8 =	vmul.u32 $0x30, v8  }
0x20b: {  	v7 =	vand.u32 $0x7, v7  }
0x20c: {  	v7 =	vor.u32 v7, v8  }
0x20d: {  	v8 =	vperm.xlane v7, v4;
	_ =	sdelay $0x1  }
0x20e: {  	v8 =	vadd.s32 v5, v8;
	_ =	sdelay $0x2  }
0x20f: {  	v9 =	vadd.s32 s24, v1  }
0x210: {  	[tilespmem:$0x600] =	vst v9;
	v7 =	vperm.xlane v7, v6  }
0x211: {  	[tilespmem:s30], [sflag:$0x4] =	stream.indirect_vreg.gather [hbm4b:s2+s4], $0x80, v8, vm0, $0xb8;
	[tilespmem:$0x18880] =	vst v63  }
0x212: {  	v7 =	vadd.s32 v5, v7  }
0x213: {  	[tilespmem:s31], [sflag:$0x4] =	stream.indirect_vreg.gather [hbm4b:s6+s4], $0x80, v8, vm0, $0xb8;
	[tilespmem:$0x18880] =	vst v63  }
0x214: {  	_ = 	snop  }
0x215: {  	[tilespmem:s0], [sflag:$0x4] =	stream.indirect_vreg.gather [hbm4b:s7+s4], $0x80, v8, vm0, $0xb8;
	[tilespmem:$0x18880] =	vst v63  }
0x216: {  	_ = 	snop  }
0x217: {  	[tilespmem:s1], [sflag:$0x4] =	stream.indirect_vreg.gather [hbm4b:s2+s4], $0x80, v7, vm0, $0xb8;
	[tilespmem:$0x18880] =	vst v63  }
.Ltmp3:
0x218: {  	s29 =	simm.s32 $0x9880;
	s5 =	sadd.s32 $0x8, s21;
	(pc) =	sbr.rel .LBB2_2-.Ltmp3, $4  }
0x219: {  	s24 =	sadd.s32 $0x4, s24;
	s30 =	simm.s32 $0xA080;
	s31 =	simm.s32 $0xA880  }
0x21a: {  	[tilespmem:s10], [sflag:$0x4] =	stream.indirect_vreg.gather [hbm4b:s6+s4], $0x80, v7, vm0, $0xb8;
	[tilespmem:$0x18880] =	vst v63  }
0x21b: {  	s0 =	simm.s32 $0xB080;
	s1 =	simm.s32 $0xB880;
	s10 =	simm.s32 $0xC080  }
0x21c: {  	[tilespmem:s11], [sflag:$0x4] =	stream.indirect_vreg.gather [hbm4b:s7+s4], $0x80, v7, vm0, $0xb8;
	[tilespmem:$0x18880] =	vst v63  }
.LBB2_5:
0x21d: {  	_ =	sfence.sel $0x180000  }
0x21e: {  	[bflag:$0x0] =	sbarrier.arrive $0xFFFF  }
0x21f: {  	_ =	strace $0x90000047  }
0x220: {  	s0 =	stileid.u32;
	[bflag:$0x2] =	sbarrier.arrive $0xFFFF  }
0x221: {  	p0 =	sne.s32 s0, $0x0;
	s0 =	rddreg [dreg:$0x3]  }
0x222: {  	s0 =	sadd.s32 @!p0 $0x100000, s0  }
0x223: {  	[sflag:s0] =	ssyncadd.tile.s32 @!p0 $0x1;
	_ =	shalt  }
.Lfunc_end2:
_tile_overlayer_lowered:
.L_overlay_start_2:
0x224: {  	(tag) =	ssettag $0x2  }
0x225: {  	s0 =	rddreg [dreg:$0x0];
	s2 =	stileid.u32  }
0x226: {  	s1 =	rddreg [dreg:$0x1];
	p0 =	sne.s32 s2, $0x0  }
0x227: {  	s3 =	rddreg [dreg:$0x2];
	[bflag:$0x3] =	sbarrier.arrive $0xFFFF;
	s2 =	simm.s32 @!p0 $0x1C11  }
0x228: {  	[timem:s3], [sflag:s2] =	dma.local @!p0 [hbm:s0], s1  }
0x229: {  	s0 =	simm.s32 @!p0 $0x11  }
0x22a: {  	_ =	swait.ge @!p0 [sflag:s0], s1  }
0x22b: {  	s1 =	ssub.s32 @!p0 $0x0, s1;
	[sflag:s0] =	ssyncset.done @!p0 $0x0  }
0x22c: {  	[sflag:s0] =	ssyncadd.s32 @!p0 s1  }
0x22d: {  	[bflag:$0x3] =	sbarrier.arrive $0xFFFF  }
0x22e: {  	_ =	shalt  }

</sc_bundles>
